<compile_context>
chip_gen: v7x
topology: tpu7x:2x2x1
jax: 0.10.2.dev20260603
libtpu: 0.0.44.dev20260713+nightly
codegen_flags: <defaults>
</compile_context>

<pallas_src>
import functools

import jax
import jax.numpy as jnp
from jax import lax
from jax.experimental import pallas as pl
from jax.experimental.pallas import tpu as pltpu
from jax.experimental.pallas import tpu_sc as plsc

MAXLEN = 50
DIM = 64
BATCH = 16384
VOCAB = 1000000
PADW = DIM

NC = 2
NS = 16
NW = NC * NS

CHUNK = 128
BBLK = BATCH // CHUNK
NCHUNK = MAXLEN * BBLK
CPW = NCHUNK // NW
BPW = BBLK // NW
LANES = 16
JB = CHUNK // LANES
NBUF = 2


def _body(xT, table, pos, out, idx_v, rows, stg, pos_v, gsems, ssems):
    wid = lax.axis_index("s") * NC + lax.axis_index("c")
    col0 = wid * BPW * CHUNK

    pltpu.sync_copy(xT.at[:, pl.ds(col0, BPW * CHUNK)], idx_v)
    pltpu.sync_copy(pos, pos_v)

    bvecs = [lax.iota(jnp.int32, LANES) + LANES * j for j in range(JB)]
    lane0 = jnp.full((LANES,), 0, jnp.int32)

    def start_gather(s, j, b):
        idx = idx_v.at[s, pl.ds(j * CHUNK, CHUNK)]
        pltpu.async_copy(table.at[idx], rows[b], gsems[b])

    def wait_gather(b):
        pltpu.make_async_copy(
            table.at[idx_v.at[0, pl.ds(0, CHUNK)]], rows[b], gsems[b]
        ).wait()

    def start_store(s, j, b):
        dst = out.at[s, :, col0 // CHUNK + j, :, :]
        pltpu.async_copy(stg[b].at[:, :, pl.ds(0, CHUNK)], dst, ssems[b])

    def wait_store(b):
        pltpu.make_async_copy(
            stg[b].at[:, :, pl.ds(0, CHUNK)], out.at[0, :, 0, :, :], ssems[b]
        ).wait()

    dcol = [
        ((lax.iota(jnp.int32, LANES) + LANES * c) // 8,
         lax.rem(lax.iota(jnp.int32, LANES) + LANES * c, 8))
        for c in range(DIM // LANES)
    ]

    def transpose_add(s, b):
        rows_f = rows[b]
        pvals = [pos_v[s, pl.ds(c * LANES, LANES)] for c in range(DIM // LANES)]

        @plsc.parallel_loop(0, CHUNK, unroll=8)
        def _(bb):
            for c in range(DIM // LANES):
                drv, slv = dcol[c]
                v = rows_f[bb, pl.ds(c * LANES, LANES)] + pvals[c]
                plsc.store_scatter(stg[b], [drv, slv, lane0 + bb], v)

    def coords(g):
        return g // BPW, lax.rem(g, BPW)

    s0, j0 = coords(0)
    start_gather(s0, j0, 0)

    def block_body(i, carry):
        for k in range(NBUF):
            g = i * NBUF + k
            b = k

            @pl.when(g < CPW - 1)
            def _():
                sn, jn = coords(g + 1)
                start_gather(sn, jn, (k + 1) % NBUF)

            wait_gather(b)

            @pl.when(g >= 2)
            def _():
                wait_store(b)

            s, j = coords(g)
            transpose_add(s, b)
            start_store(s, j, b)
        return carry

    lax.fori_loop(0, CPW // NBUF, block_body, 0)

    for e in range(NBUF):
        wait_store((CPW - NBUF + e) % NBUF)


@functools.partial(
    pl.kernel,
    mesh=plsc.VectorSubcoreMesh(core_axis_name="c", subcore_axis_name="s"),
    out_type=jax.ShapeDtypeStruct((MAXLEN, DIM // 8, BBLK, 8, CHUNK), jnp.float32),
    scratch_types=[
        pltpu.VMEM((MAXLEN, BPW * CHUNK), jnp.int32),
        [pltpu.VMEM((CHUNK, PADW), jnp.float32) for _ in range(NBUF)],
        [pltpu.VMEM((DIM // 8, 8, CHUNK + 1), jnp.float32) for _ in range(NBUF)],
        pltpu.VMEM((DIM, DIM), jnp.float32),
        [pltpu.SemaphoreType.DMA for _ in range(NBUF)],
        [pltpu.SemaphoreType.DMA for _ in range(NBUF)],
    ],
    compiler_params=pltpu.CompilerParams(
        use_tc_tiling_on_sc=False, needs_layout_passes=False
    ),
)
def _sc_kernel(xT, table, pos, out, idx_v, rows, stg, pos_v, gsems, ssems):
    _body(xT, table, pos, out, idx_v, rows, stg, pos_v, gsems, ssems)


def kernel(x, token_table, pos_table):
    xT = x.astype(jnp.int32).T
    out5 = _sc_kernel(xT, token_table, pos_table)
    out = jnp.transpose(out5, (0, 1, 3, 2, 4)).reshape(MAXLEN, DIM, BATCH)
    return jnp.transpose(out, (2, 0, 1))

# --- scband reference (transcript-rebuilt; emitter-appended) ---
"""Pipeline reference for scband-token-and-position-embedding-77077483094035 (READ-ONLY COPY).

The authoritative reference and input builder live on the scoring server;
editing this copy changes nothing except your own understanding.
"""

import jax, jax.numpy as jnp
import numpy as np

MAXLEN = 50
VOCAB = 1000000
DIM = 64
BATCH = 16384

def setup_inputs(seed: int = 0) -> dict:
    key = jax.random.key(seed)
    k1, k2, k3 = jax.random.split(key, 3)
    x = jax.random.randint(k1, (BATCH, MAXLEN), 0, VOCAB, dtype=jnp.int64 if jax.config.jax_enable_x64 else jnp.int32)
    token_table = jax.random.normal(k2, (VOCAB, DIM), dtype=jnp.float32) * 0.05
    # NOTE: faithful to the original module, pos_emb table has input_dim=embedding_dim rows
    pos_table = jax.random.normal(k3, (DIM, DIM), dtype=jnp.float32) * 0.05
    return {"x": x, "token_table": token_table, "pos_table": pos_table}

def reference(x, token_table, pos_table):
    positions = jnp.arange(0, MAXLEN, 1)
    pos = jnp.take(pos_table, positions, axis=0)          # [MAXLEN, DIM]
    token = jnp.take(token_table, x, axis=0)              # [BATCH, MAXLEN, DIM]
    return token + pos[None, :, :]

if __name__ == "__main__":
    import jax
    _d = setup_inputs()
    print(jax.jit(kernel)(*tuple(_d.values())))

</pallas_src>

<mosaic_0001>
#map = affine_map<(d0, d1) -> (0, 0)>
#map1 = affine_map<(d0, d1) -> (0, 0, 0, 0, 0)>
module attributes {stable_mosaic.version = 14 : i64} {
  func.func @_sc_kernel(%arg0: i32, %arg1: i32, %arg2: memref<50x16384xi32, #tpu.memory_space<hbm>>, %arg3: memref<1000000x64xf32, #tpu.memory_space<hbm>>, %arg4: memref<64x64xf32, #tpu.memory_space<hbm>>, %arg5: memref<50x8x128x8x128xf32, #tpu.memory_space<hbm>>, %arg6: memref<50x512xi32, #tpu.memory_space<vmem>>, %arg7: memref<128x64xf32, #tpu.memory_space<vmem>>, %arg8: memref<128x64xf32, #tpu.memory_space<vmem>>, %arg9: memref<8x8x129xf32, #tpu.memory_space<vmem>>, %arg10: memref<8x8x129xf32, #tpu.memory_space<vmem>>, %arg11: memref<64x64xf32, #tpu.memory_space<vmem>>, %arg12: memref<!tpu.dma_semaphore, #tpu.memory_space<semaphore_mem>>, %arg13: memref<!tpu.dma_semaphore, #tpu.memory_space<semaphore_mem>>, %arg14: memref<!tpu.dma_semaphore, #tpu.memory_space<semaphore_mem>>, %arg15: memref<!tpu.dma_semaphore, #tpu.memory_space<semaphore_mem>>) attributes {dimension_semantics = [#tpu.dimension_semantics<core_parallel>, #tpu.dimension_semantics<subcore_parallel>], iteration_bounds = array<i64: 2, 16>, scalar_prefetch = 0 : i64, scratch_operands = 10 : i64, tpu.core_type = #tpu.core_type<sc_vector_subcore>, window_params = [{transform_indices = #map}, {transform_indices = #map}, {transform_indices = #map}, {transform_indices = #map1}]} {
    %mul3A = arith.constant 2 : i32
    %mul3A_0 = arith.muli %arg1, %mul3A : i32
    %add3A = arith.addi %mul3A_0, %arg0 : i32
    %mul3A_1 = arith.constant 4 : i32
    %mul3A_2 = arith.muli %add3A, %mul3A_1 : i32
    %mul3A_3 = arith.constant 128 : i32
    %mul3A_4 = arith.muli %mul3A_2, %mul3A_3 : i32
    "tpu.region"() ({
      %run_scoped3A = tpu.sem_alloc : memref<!tpu.dma_semaphore, #tpu.memory_space<semaphore_mem>>
      %dma_start3A_251 = arith.constant 0 : i32
      %dma_start3A_252 = tpu.memref_slice %arg2[%dma_start3A_251, %mul3A_4] : memref<50x16384xi32, #tpu.memory_space<hbm>> -> memref<50x512xi32, #tpu.memory_space<hbm>>
      %dma_start3A_253 = arith.constant 0 : i32
      %dma_start3A_254 = tpu.memref_slice %arg2[%dma_start3A_253, %mul3A_4] : memref<50x16384xi32, #tpu.memory_space<hbm>> -> memref<50x512xi32, #tpu.memory_space<hbm>>
      tpu.enqueue_dma source(%dma_start3A_254 : memref<50x512xi32, #tpu.memory_space<hbm>>) target(%arg6 : memref<50x512xi32, #tpu.memory_space<vmem>>) target_semaphore(%run_scoped3A : memref<!tpu.dma_semaphore, #tpu.memory_space<semaphore_mem>>)
      %dma_wait3A_255 = arith.constant 0 : i32
      %dma_wait3A_256 = tpu.memref_slice %arg2[%dma_wait3A_255, %mul3A_4] : memref<50x16384xi32, #tpu.memory_space<hbm>> -> memref<50x512xi32, #tpu.memory_space<hbm>>
      %dma_wait3A_257 = arith.constant 0 : i32
      %dma_wait3A_258 = tpu.memref_slice %arg2[%dma_wait3A_257, %mul3A_4] : memref<50x16384xi32, #tpu.memory_space<hbm>> -> memref<50x512xi32, #tpu.memory_space<hbm>>
      tpu.wait_dma2 semaphore(%run_scoped3A : memref<!tpu.dma_semaphore, #tpu.memory_space<semaphore_mem>>) src(%dma_wait3A_258 : memref<50x512xi32, #tpu.memory_space<hbm>>) dst(%arg6 : memref<50x512xi32, #tpu.memory_space<vmem>>)
      tpu.yield
    }) : () -> ()
    "tpu.region"() ({
      %run_scoped3A = tpu.sem_alloc : memref<!tpu.dma_semaphore, #tpu.memory_space<semaphore_mem>>
      tpu.enqueue_dma source(%arg4 : memref<64x64xf32, #tpu.memory_space<hbm>>) target(%arg11 : memref<64x64xf32, #tpu.memory_space<vmem>>) target_semaphore(%run_scoped3A : memref<!tpu.dma_semaphore, #tpu.memory_space<semaphore_mem>>)
      tpu.wait_dma2 semaphore(%run_scoped3A : memref<!tpu.dma_semaphore, #tpu.memory_space<semaphore_mem>>) src(%arg4 : memref<64x64xf32, #tpu.memory_space<hbm>>) dst(%arg11 : memref<64x64xf32, #tpu.memory_space<vmem>>)
      tpu.yield
    }) : () -> ()
    %iota3A = tpu.iota {dimensions = array<i32: 0>} : vector<16xi32>
    %add3A_5 = arith.constant 0 : i32
    %add3A_6 = vector.broadcast %add3A_5 : i32 to vector<16xi32>
    %add3A_7 = arith.addi %iota3A, %add3A_6 : vector<16xi32>
    %iota3A_8 = tpu.iota {dimensions = array<i32: 0>} : vector<16xi32>
    %add3A_9 = arith.constant 16 : i32
    %add3A_10 = vector.broadcast %add3A_9 : i32 to vector<16xi32>
    %add3A_11 = arith.addi %iota3A_8, %add3A_10 : vector<16xi32>
    %iota3A_12 = tpu.iota {dimensions = array<i32: 0>} : vector<16xi32>
    %add3A_13 = arith.constant 32 : i32
    %add3A_14 = vector.broadcast %add3A_13 : i32 to vector<16xi32>
    %add3A_15 = arith.addi %iota3A_12, %add3A_14 : vector<16xi32>
    %iota3A_16 = tpu.iota {dimensions = array<i32: 0>} : vector<16xi32>
    %add3A_17 = arith.constant 48 : i32
    %add3A_18 = vector.broadcast %add3A_17 : i32 to vector<16xi32>
    %add3A_19 = arith.addi %iota3A_16, %add3A_18 : vector<16xi32>
    %iota3A_20 = tpu.iota {dimensions = array<i32: 0>} : vector<16xi32>
    %add3A_21 = arith.constant 64 : i32
    %add3A_22 = vector.broadcast %add3A_21 : i32 to vector<16xi32>
    %add3A_23 = arith.addi %iota3A_20, %add3A_22 : vector<16xi32>
    %iota3A_24 = tpu.iota {dimensions = array<i32: 0>} : vector<16xi32>
    %add3A_25 = arith.constant 80 : i32
    %add3A_26 = vector.broadcast %add3A_25 : i32 to vector<16xi32>
    %add3A_27 = arith.addi %iota3A_24, %add3A_26 : vector<16xi32>
    %iota3A_28 = tpu.iota {dimensions = array<i32: 0>} : vector<16xi32>
    %add3A_29 = arith.constant 96 : i32
    %add3A_30 = vector.broadcast %add3A_29 : i32 to vector<16xi32>
    %add3A_31 = arith.addi %iota3A_28, %add3A_30 : vector<16xi32>
    %iota3A_32 = tpu.iota {dimensions = array<i32: 0>} : vector<16xi32>
    %add3A_33 = arith.constant 112 : i32
    %add3A_34 = vector.broadcast %add3A_33 : i32 to vector<16xi32>
    %add3A_35 = arith.addi %iota3A_32, %add3A_34 : vector<16xi32>
    %broadcast_in_dim3A = arith.constant 0 : i32
    %broadcast_in_dim3A_36 = vector.broadcast %broadcast_in_dim3A : i32 to vector<16xi32>
    %iota3A_37 = tpu.iota {dimensions = array<i32: 0>} : vector<16xi32>
    %add3A_38 = arith.constant 0 : i32
    %add3A_39 = vector.broadcast %add3A_38 : i32 to vector<16xi32>
    %add3A_40 = arith.addi %iota3A_37, %add3A_39 : vector<16xi32>
    %jit3A = arith.constant 8 : i32
    %div3A = vector.broadcast %jit3A : i32 to vector<16xi32>
    %div3A_41 = arith.divsi %add3A_40, %div3A : vector<16xi32>
    %sign3A = arith.constant 0 : i32
    %sign3A_42 = vector.broadcast %sign3A : i32 to vector<16xi32>
    %sign3A_43 = arith.cmpi sgt, %add3A_40, %sign3A_42 : vector<16xi32>
    %sign3A_44 = arith.extui %sign3A_43 : vector<16xi1> to vector<16xi32>
    %sign3A_45 = arith.constant 0 : i32
    %sign3A_46 = vector.broadcast %sign3A_45 : i32 to vector<16xi32>
    %sign3A_47 = arith.cmpi slt, %add3A_40, %sign3A_46 : vector<16xi32>
    %sign3A_48 = arith.extui %sign3A_47 : vector<16xi1> to vector<16xi32>
    %sign3A_49 = arith.subi %sign3A_44, %sign3A_48 : vector<16xi32>
    %sign3A_50 = arith.constant 0 : i32
    %sign3A_51 = arith.cmpi sgt, %jit3A, %sign3A_50 : i32
    %sign3A_52 = arith.extui %sign3A_51 : i1 to i32
    %sign3A_53 = arith.constant 0 : i32
    %sign3A_54 = arith.cmpi slt, %jit3A, %sign3A_53 : i32
    %sign3A_55 = arith.extui %sign3A_54 : i1 to i32
    %sign3A_56 = arith.subi %sign3A_52, %sign3A_55 : i32
    %ne3A = vector.broadcast %sign3A_56 : i32 to vector<16xi32>
    %ne3A_57 = arith.cmpi ne, %sign3A_49, %ne3A : vector<16xi32>
    %rem3A = vector.broadcast %jit3A : i32 to vector<16xi32>
    %rem3A_58 = arith.remsi %add3A_40, %rem3A : vector<16xi32>
    %ne3A_59 = arith.constant 0 : i32
    %ne3A_60 = vector.broadcast %ne3A_59 : i32 to vector<16xi32>
    %ne3A_61 = arith.cmpi ne, %rem3A_58, %ne3A_60 : vector<16xi32>
    %and3A = arith.andi %ne3A_57, %ne3A_61 : vector<16xi1>
    %sub3A = arith.constant 1 : i32
    %sub3A_62 = vector.broadcast %sub3A : i32 to vector<16xi32>
    %sub3A_63 = arith.subi %div3A_41, %sub3A_62 : vector<16xi32>
    %select_n3A = arith.select %and3A, %sub3A_63, %div3A_41 : vector<16xi1>, vector<16xi32>
    %iota3A_64 = tpu.iota {dimensions = array<i32: 0>} : vector<16xi32>
    %add3A_65 = arith.constant 0 : i32
    %add3A_66 = vector.broadcast %add3A_65 : i32 to vector<16xi32>
    %add3A_67 = arith.addi %iota3A_64, %add3A_66 : vector<16xi32>
    %rem3A_68 = arith.constant 8 : i32
    %rem3A_69 = vector.broadcast %rem3A_68 : i32 to vector<16xi32>
    %rem3A_70 = arith.remsi %add3A_67, %rem3A_69 : vector<16xi32>
    %iota3A_71 = tpu.iota {dimensions = array<i32: 0>} : vector<16xi32>
    %add3A_72 = arith.constant 16 : i32
    %add3A_73 = vector.broadcast %add3A_72 : i32 to vector<16xi32>
    %add3A_74 = arith.addi %iota3A_71, %add3A_73 : vector<16xi32>
    %jit3A_75 = arith.constant 8 : i32
    %div3A_76 = vector.broadcast %jit3A_75 : i32 to vector<16xi32>
    %div3A_77 = arith.divsi %add3A_74, %div3A_76 : vector<16xi32>
    %sign3A_78 = arith.constant 0 : i32
    %sign3A_79 = vector.broadcast %sign3A_78 : i32 to vector<16xi32>
    %sign3A_80 = arith.cmpi sgt, %add3A_74, %sign3A_79 : vector<16xi32>
    %sign3A_81 = arith.extui %sign3A_80 : vector<16xi1> to vector<16xi32>
    %sign3A_82 = arith.constant 0 : i32
    %sign3A_83 = vector.broadcast %sign3A_82 : i32 to vector<16xi32>
    %sign3A_84 = arith.cmpi slt, %add3A_74, %sign3A_83 : vector<16xi32>
    %sign3A_85 = arith.extui %sign3A_84 : vector<16xi1> to vector<16xi32>
    %sign3A_86 = arith.subi %sign3A_81, %sign3A_85 : vector<16xi32>
    %sign3A_87 = arith.constant 0 : i32
    %sign3A_88 = arith.cmpi sgt, %jit3A_75, %sign3A_87 : i32
    %sign3A_89 = arith.extui %sign3A_88 : i1 to i32
    %sign3A_90 = arith.constant 0 : i32
    %sign3A_91 = arith.cmpi slt, %jit3A_75, %sign3A_90 : i32
    %sign3A_92 = arith.extui %sign3A_91 : i1 to i32
    %sign3A_93 = arith.subi %sign3A_89, %sign3A_92 : i32
    %ne3A_94 = vector.broadcast %sign3A_93 : i32 to vector<16xi32>
    %ne3A_95 = arith.cmpi ne, %sign3A_86, %ne3A_94 : vector<16xi32>
    %rem3A_96 = vector.broadcast %jit3A_75 : i32 to vector<16xi32>
    %rem3A_97 = arith.remsi %add3A_74, %rem3A_96 : vector<16xi32>
    %ne3A_98 = arith.constant 0 : i32
    %ne3A_99 = vector.broadcast %ne3A_98 : i32 to vector<16xi32>
    %ne3A_100 = arith.cmpi ne, %rem3A_97, %ne3A_99 : vector<16xi32>
    %and3A_101 = arith.andi %ne3A_95, %ne3A_100 : vector<16xi1>
    %sub3A_102 = arith.constant 1 : i32
    %sub3A_103 = vector.broadcast %sub3A_102 : i32 to vector<16xi32>
    %sub3A_104 = arith.subi %div3A_77, %sub3A_103 : vector<16xi32>
    %select_n3A_105 = arith.select %and3A_101, %sub3A_104, %div3A_77 : vector<16xi1>, vector<16xi32>
    %iota3A_106 = tpu.iota {dimensions = array<i32: 0>} : vector<16xi32>
    %add3A_107 = arith.constant 16 : i32
    %add3A_108 = vector.broadcast %add3A_107 : i32 to vector<16xi32>
    %add3A_109 = arith.addi %iota3A_106, %add3A_108 : vector<16xi32>
    %rem3A_110 = arith.constant 8 : i32
    %rem3A_111 = vector.broadcast %rem3A_110 : i32 to vector<16xi32>
    %rem3A_112 = arith.remsi %add3A_109, %rem3A_111 : vector<16xi32>
    %iota3A_113 = tpu.iota {dimensions = array<i32: 0>} : vector<16xi32>
    %add3A_114 = arith.constant 32 : i32
    %add3A_115 = vector.broadcast %add3A_114 : i32 to vector<16xi32>
    %add3A_116 = arith.addi %iota3A_113, %add3A_115 : vector<16xi32>
    %jit3A_117 = arith.constant 8 : i32
    %div3A_118 = vector.broadcast %jit3A_117 : i32 to vector<16xi32>
    %div3A_119 = arith.divsi %add3A_116, %div3A_118 : vector<16xi32>
    %sign3A_120 = arith.constant 0 : i32
    %sign3A_121 = vector.broadcast %sign3A_120 : i32 to vector<16xi32>
    %sign3A_122 = arith.cmpi sgt, %add3A_116, %sign3A_121 : vector<16xi32>
    %sign3A_123 = arith.extui %sign3A_122 : vector<16xi1> to vector<16xi32>
    %sign3A_124 = arith.constant 0 : i32
    %sign3A_125 = vector.broadcast %sign3A_124 : i32 to vector<16xi32>
    %sign3A_126 = arith.cmpi slt, %add3A_116, %sign3A_125 : vector<16xi32>
    %sign3A_127 = arith.extui %sign3A_126 : vector<16xi1> to vector<16xi32>
    %sign3A_128 = arith.subi %sign3A_123, %sign3A_127 : vector<16xi32>
    %sign3A_129 = arith.constant 0 : i32
    %sign3A_130 = arith.cmpi sgt, %jit3A_117, %sign3A_129 : i32
    %sign3A_131 = arith.extui %sign3A_130 : i1 to i32
    %sign3A_132 = arith.constant 0 : i32
    %sign3A_133 = arith.cmpi slt, %jit3A_117, %sign3A_132 : i32
    %sign3A_134 = arith.extui %sign3A_133 : i1 to i32
    %sign3A_135 = arith.subi %sign3A_131, %sign3A_134 : i32
    %ne3A_136 = vector.broadcast %sign3A_135 : i32 to vector<16xi32>
    %ne3A_137 = arith.cmpi ne, %sign3A_128, %ne3A_136 : vector<16xi32>
    %rem3A_138 = vector.broadcast %jit3A_117 : i32 to vector<16xi32>
    %rem3A_139 = arith.remsi %add3A_116, %rem3A_138 : vector<16xi32>
    %ne3A_140 = arith.constant 0 : i32
    %ne3A_141 = vector.broadcast %ne3A_140 : i32 to vector<16xi32>
    %ne3A_142 = arith.cmpi ne, %rem3A_139, %ne3A_141 : vector<16xi32>
    %and3A_143 = arith.andi %ne3A_137, %ne3A_142 : vector<16xi1>
    %sub3A_144 = arith.constant 1 : i32
    %sub3A_145 = vector.broadcast %sub3A_144 : i32 to vector<16xi32>
    %sub3A_146 = arith.subi %div3A_119, %sub3A_145 : vector<16xi32>
    %select_n3A_147 = arith.select %and3A_143, %sub3A_146, %div3A_119 : vector<16xi1>, vector<16xi32>
    %iota3A_148 = tpu.iota {dimensions = array<i32: 0>} : vector<16xi32>
    %add3A_149 = arith.constant 32 : i32
    %add3A_150 = vector.broadcast %add3A_149 : i32 to vector<16xi32>
    %add3A_151 = arith.addi %iota3A_148, %add3A_150 : vector<16xi32>
    %rem3A_152 = arith.constant 8 : i32
    %rem3A_153 = vector.broadcast %rem3A_152 : i32 to vector<16xi32>
    %rem3A_154 = arith.remsi %add3A_151, %rem3A_153 : vector<16xi32>
    %iota3A_155 = tpu.iota {dimensions = array<i32: 0>} : vector<16xi32>
    %add3A_156 = arith.constant 48 : i32
    %add3A_157 = vector.broadcast %add3A_156 : i32 to vector<16xi32>
    %add3A_158 = arith.addi %iota3A_155, %add3A_157 : vector<16xi32>
    %jit3A_159 = arith.constant 8 : i32
    %div3A_160 = vector.broadcast %jit3A_159 : i32 to vector<16xi32>
    %div3A_161 = arith.divsi %add3A_158, %div3A_160 : vector<16xi32>
    %sign3A_162 = arith.constant 0 : i32
    %sign3A_163 = vector.broadcast %sign3A_162 : i32 to vector<16xi32>
    %sign3A_164 = arith.cmpi sgt, %add3A_158, %sign3A_163 : vector<16xi32>
    %sign3A_165 = arith.extui %sign3A_164 : vector<16xi1> to vector<16xi32>
    %sign3A_166 = arith.constant 0 : i32
    %sign3A_167 = vector.broadcast %sign3A_166 : i32 to vector<16xi32>
    %sign3A_168 = arith.cmpi slt, %add3A_158, %sign3A_167 : vector<16xi32>
    %sign3A_169 = arith.extui %sign3A_168 : vector<16xi1> to vector<16xi32>
    %sign3A_170 = arith.subi %sign3A_165, %sign3A_169 : vector<16xi32>
    %sign3A_171 = arith.constant 0 : i32
    %sign3A_172 = arith.cmpi sgt, %jit3A_159, %sign3A_171 : i32
    %sign3A_173 = arith.extui %sign3A_172 : i1 to i32
    %sign3A_174 = arith.constant 0 : i32
    %sign3A_175 = arith.cmpi slt, %jit3A_159, %sign3A_174 : i32
    %sign3A_176 = arith.extui %sign3A_175 : i1 to i32
    %sign3A_177 = arith.subi %sign3A_173, %sign3A_176 : i32
    %ne3A_178 = vector.broadcast %sign3A_177 : i32 to vector<16xi32>
    %ne3A_179 = arith.cmpi ne, %sign3A_170, %ne3A_178 : vector<16xi32>
    %rem3A_180 = vector.broadcast %jit3A_159 : i32 to vector<16xi32>
    %rem3A_181 = arith.remsi %add3A_158, %rem3A_180 : vector<16xi32>
    %ne3A_182 = arith.constant 0 : i32
    %ne3A_183 = vector.broadcast %ne3A_182 : i32 to vector<16xi32>
    %ne3A_184 = arith.cmpi ne, %rem3A_181, %ne3A_183 : vector<16xi32>
    %and3A_185 = arith.andi %ne3A_179, %ne3A_184 : vector<16xi1>
    %sub3A_186 = arith.constant 1 : i32
    %sub3A_187 = vector.broadcast %sub3A_186 : i32 to vector<16xi32>
    %sub3A_188 = arith.subi %div3A_161, %sub3A_187 : vector<16xi32>
    %select_n3A_189 = arith.select %and3A_185, %sub3A_188, %div3A_161 : vector<16xi1>, vector<16xi32>
    %iota3A_190 = tpu.iota {dimensions = array<i32: 0>} : vector<16xi32>
    %add3A_191 = arith.constant 48 : i32
    %add3A_192 = vector.broadcast %add3A_191 : i32 to vector<16xi32>
    %add3A_193 = arith.addi %iota3A_190, %add3A_192 : vector<16xi32>
    %rem3A_194 = arith.constant 8 : i32
    %rem3A_195 = vector.broadcast %rem3A_194 : i32 to vector<16xi32>
    %rem3A_196 = arith.remsi %add3A_193, %rem3A_195 : vector<16xi32>
    %rem3A_197 = arith.constant 0 : i32
    %rem3A_198 = arith.constant 4 : i32
    %rem3A_199 = arith.remsi %rem3A_197, %rem3A_198 : i32
    %mul3A_200 = arith.constant 128 : i32
    %mul3A_201 = arith.muli %rem3A_199, %mul3A_200 : i32
    %dma_start3A = arith.constant 0 : i32
    %dma_start3A_202 = tpu.memref_slice %arg6[%dma_start3A, %mul3A_201] : memref<50x512xi32, #tpu.memory_space<vmem>> -> memref<1x128xi32, #tpu.memory_space<vmem>>
    %dma_start3A_203 = tpu.memref_squeeze %dma_start3A_202 : memref<1x128xi32, #tpu.memory_space<vmem>> -> memref<128xi32, #tpu.memory_space<vmem>>
    %dma_start3A_204 = arith.constant 0 : i32
    %dma_start3A_205 = arith.constant 0 : i32
    %dma_start3A_206 = tpu.memref_slice %arg3[%dma_start3A_204, %dma_start3A_205] : memref<1000000x64xf32, #tpu.memory_space<hbm>> -> memref<1000000x64xf32, #tpu.memory_space<hbm>>
    tpu.enqueue_indirect_dma source(%dma_start3A_206 : memref<1000000x64xf32, #tpu.memory_space<hbm>>) target(%arg7 : memref<128x64xf32, #tpu.memory_space<vmem>>) offsets(%dma_start3A_203 : memref<128xi32, #tpu.memory_space<vmem>>) semaphore(%arg12 : memref<!tpu.dma_semaphore, #tpu.memory_space<semaphore_mem>>)
    %scan3A = arith.constant 0 : i32
    %scan3A_207 = arith.constant 0 : i32
    %scan3A_208 = arith.constant 100 : i32
    %scan3A_209 = arith.addi %scan3A_207, %scan3A_208 : i32
    %scan3A_210 = arith.constant 1 : i32
    scf.for %scan3A_251 = %scan3A_207 to %scan3A_209 step %scan3A_210  : i32 {
      %mul3A_252 = arith.constant 2 : i32
      %mul3A_253 = arith.muli %scan3A_251, %mul3A_252 : i32
      %add3A_254 = arith.constant 0 : i32
      %add3A_255 = arith.addi %mul3A_253, %add3A_254 : i32
      %lt3A = arith.constant 199 : i32
      %lt3A_256 = arith.cmpi slt, %add3A_255, %lt3A : i32
      %convert_element_type3A = arith.extui %lt3A_256 : i1 to i32
      %cond3A = arith.constant 0 : i32
      %cond3A_257 = arith.cmpi ne, %convert_element_type3A, %cond3A : i32
      scf.if %cond3A_257 {
        %add3A_456 = arith.constant 1 : i32
        %add3A_457 = arith.addi %add3A_255, %add3A_456 : i32
        %jit3A_458 = arith.constant 4 : i32
        %div3A_459 = arith.divsi %add3A_457, %jit3A_458 : i32
        %sign3A_460 = arith.constant 0 : i32
        %sign3A_461 = arith.cmpi sgt, %add3A_457, %sign3A_460 : i32
        %sign3A_462 = arith.extui %sign3A_461 : i1 to i32
        %sign3A_463 = arith.constant 0 : i32
        %sign3A_464 = arith.cmpi slt, %add3A_457, %sign3A_463 : i32
        %sign3A_465 = arith.extui %sign3A_464 : i1 to i32
        %sign3A_466 = arith.subi %sign3A_462, %sign3A_465 : i32
        %sign3A_467 = arith.constant 0 : i32
        %sign3A_468 = arith.cmpi sgt, %jit3A_458, %sign3A_467 : i32
        %sign3A_469 = arith.extui %sign3A_468 : i1 to i32
        %sign3A_470 = arith.constant 0 : i32
        %sign3A_471 = arith.cmpi slt, %jit3A_458, %sign3A_470 : i32
        %sign3A_472 = arith.extui %sign3A_471 : i1 to i32
        %sign3A_473 = arith.subi %sign3A_469, %sign3A_472 : i32
        %ne3A_474 = arith.cmpi ne, %sign3A_466, %sign3A_473 : i32
        %rem3A_475 = arith.remsi %add3A_457, %jit3A_458 : i32
        %ne3A_476 = arith.constant 0 : i32
        %ne3A_477 = arith.cmpi ne, %rem3A_475, %ne3A_476 : i32
        %and3A_478 = arith.andi %ne3A_474, %ne3A_477 : i1
        %sub3A_479 = arith.constant 1 : i32
        %sub3A_480 = arith.subi %div3A_459, %sub3A_479 : i32
        %select_n3A_481 = arith.select %and3A_478, %sub3A_480, %div3A_459 : i32
        %rem3A_482 = arith.constant 4 : i32
        %rem3A_483 = arith.remsi %add3A_457, %rem3A_482 : i32
        %mul3A_484 = arith.constant 128 : i32
        %mul3A_485 = arith.muli %rem3A_483, %mul3A_484 : i32
        %dma_start3A_486 = tpu.memref_slice %arg6[%select_n3A_481, %mul3A_485] : memref<50x512xi32, #tpu.memory_space<vmem>> -> memref<1x128xi32, #tpu.memory_space<vmem>>
        %dma_start3A_487 = tpu.memref_squeeze %dma_start3A_486 : memref<1x128xi32, #tpu.memory_space<vmem>> -> memref<128xi32, #tpu.memory_space<vmem>>
        %dma_start3A_488 = arith.constant 0 : i32
        %dma_start3A_489 = arith.constant 0 : i32
        %dma_start3A_490 = tpu.memref_slice %arg3[%dma_start3A_488, %dma_start3A_489] : memref<1000000x64xf32, #tpu.memory_space<hbm>> -> memref<1000000x64xf32, #tpu.memory_space<hbm>>
        tpu.enqueue_indirect_dma source(%dma_start3A_490 : memref<1000000x64xf32, #tpu.memory_space<hbm>>) target(%arg8 : memref<128x64xf32, #tpu.memory_space<vmem>>) offsets(%dma_start3A_487 : memref<128xi32, #tpu.memory_space<vmem>>) semaphore(%arg13 : memref<!tpu.dma_semaphore, #tpu.memory_space<semaphore_mem>>)
      } else {
      }
      %dma_wait3A_258 = arith.constant 0 : i32
      %dma_wait3A_259 = arith.constant 0 : i32
      %dma_wait3A_260 = tpu.memref_slice %arg6[%dma_wait3A_258, %dma_wait3A_259] : memref<50x512xi32, #tpu.memory_space<vmem>> -> memref<1x128xi32, #tpu.memory_space<vmem>>
      %dma_wait3A_261 = tpu.memref_squeeze %dma_wait3A_260 : memref<1x128xi32, #tpu.memory_space<vmem>> -> memref<128xi32, #tpu.memory_space<vmem>>
      %dma_wait3A_262 = arith.constant 0 : i32
      %dma_wait3A_263 = arith.constant 0 : i32
      %dma_wait3A_264 = tpu.memref_slice %arg3[%dma_wait3A_262, %dma_wait3A_263] : memref<1000000x64xf32, #tpu.memory_space<hbm>> -> memref<1000000x64xf32, #tpu.memory_space<hbm>>
      tpu.wait_indirect_dma semaphore(%arg12 : memref<!tpu.dma_semaphore, #tpu.memory_space<semaphore_mem>>) src(%dma_wait3A_264 : memref<1000000x64xf32, #tpu.memory_space<hbm>>) dst(%arg7 : memref<128x64xf32, #tpu.memory_space<vmem>>)
      %ge3A = arith.constant 2 : i32
      %ge3A_265 = arith.cmpi sge, %add3A_255, %ge3A : i32
      %convert_element_type3A_266 = arith.extui %ge3A_265 : i1 to i32
      %cond3A_267 = arith.constant 0 : i32
      %cond3A_268 = arith.cmpi ne, %convert_element_type3A_266, %cond3A_267 : i32
      scf.if %cond3A_268 {
        %dma_wait3A_456 = arith.constant 0 : i32
        %dma_wait3A_457 = arith.constant 0 : i32
        %dma_wait3A_458 = arith.constant 0 : i32
        %dma_wait3A_459 = arith.constant 0 : i32
        %dma_wait3A_460 = arith.constant 0 : i32
        %dma_wait3A_461 = tpu.memref_slice %arg9[%dma_wait3A_458, %dma_wait3A_459, %dma_wait3A_460] : memref<8x8x129xf32, #tpu.memory_space<vmem>> -> memref<8x8x128xf32, #tpu.memory_space<vmem>>
        %dma_wait3A_462 = arith.constant 0 : i32
        %dma_wait3A_463 = arith.constant 0 : i32
        %dma_wait3A_464 = arith.constant 0 : i32
        %dma_wait3A_465 = tpu.memref_slice %arg5[%dma_wait3A_456, %dma_wait3A_462, %dma_wait3A_457, %dma_wait3A_463, %dma_wait3A_464] : memref<50x8x128x8x128xf32, #tpu.memory_space<hbm>> -> memref<1x8x1x8x128xf32, #tpu.memory_space<hbm>>
        %dma_wait3A_466 = tpu.memref_squeeze %dma_wait3A_465 : memref<1x8x1x8x128xf32, #tpu.memory_space<hbm>> -> memref<8x8x128xf32, #tpu.memory_space<hbm>>
        %dma_wait3A_467 = arith.constant 0 : i32
        %dma_wait3A_468 = arith.constant 0 : i32
        %dma_wait3A_469 = arith.constant 0 : i32
        %dma_wait3A_470 = tpu.memref_slice %arg5[%dma_wait3A_456, %dma_wait3A_467, %dma_wait3A_457, %dma_wait3A_468, %dma_wait3A_469] : memref<50x8x128x8x128xf32, #tpu.memory_space<hbm>> -> memref<1x8x1x8x128xf32, #tpu.memory_space<hbm>>
        %dma_wait3A_471 = tpu.memref_squeeze %dma_wait3A_470 : memref<1x8x1x8x128xf32, #tpu.memory_space<hbm>> -> memref<8x8x128xf32, #tpu.memory_space<hbm>>
        %dma_wait3A_472 = arith.constant 0 : i32
        %dma_wait3A_473 = arith.constant 0 : i32
        %dma_wait3A_474 = arith.constant 0 : i32
        %dma_wait3A_475 = tpu.memref_slice %arg9[%dma_wait3A_472, %dma_wait3A_473, %dma_wait3A_474] : memref<8x8x129xf32, #tpu.memory_space<vmem>> -> memref<8x8x128xf32, #tpu.memory_space<vmem>>
        tpu.wait_dma2 semaphore(%arg14 : memref<!tpu.dma_semaphore, #tpu.memory_space<semaphore_mem>>) src(%dma_wait3A_475 : memref<8x8x128xf32, #tpu.memory_space<vmem>>) dst(%dma_wait3A_471 : memref<8x8x128xf32, #tpu.memory_space<hbm>>)
      } else {
      }
      %jit3A_269 = arith.constant 4 : i32
      %div3A_270 = arith.divsi %add3A_255, %jit3A_269 : i32
      %sign3A_271 = arith.constant 0 : i32
      %sign3A_272 = arith.cmpi sgt, %add3A_255, %sign3A_271 : i32
      %sign3A_273 = arith.extui %sign3A_272 : i1 to i32
      %sign3A_274 = arith.constant 0 : i32
      %sign3A_275 = arith.cmpi slt, %add3A_255, %sign3A_274 : i32
      %sign3A_276 = arith.extui %sign3A_275 : i1 to i32
      %sign3A_277 = arith.subi %sign3A_273, %sign3A_276 : i32
      %sign3A_278 = arith.constant 0 : i32
      %sign3A_279 = arith.cmpi sgt, %jit3A_269, %sign3A_278 : i32
      %sign3A_280 = arith.extui %sign3A_279 : i1 to i32
      %sign3A_281 = arith.constant 0 : i32
      %sign3A_282 = arith.cmpi slt, %jit3A_269, %sign3A_281 : i32
      %sign3A_283 = arith.extui %sign3A_282 : i1 to i32
      %sign3A_284 = arith.subi %sign3A_280, %sign3A_283 : i32
      %ne3A_285 = arith.cmpi ne, %sign3A_277, %sign3A_284 : i32
      %rem3A_286 = arith.remsi %add3A_255, %jit3A_269 : i32
      %ne3A_287 = arith.constant 0 : i32
      %ne3A_288 = arith.cmpi ne, %rem3A_286, %ne3A_287 : i32
      %and3A_289 = arith.andi %ne3A_285, %ne3A_288 : i1
      %sub3A_290 = arith.constant 1 : i32
      %sub3A_291 = arith.subi %div3A_270, %sub3A_290 : i32
      %select_n3A_292 = arith.select %and3A_289, %sub3A_291, %div3A_270 : i32
      %rem3A_293 = arith.constant 4 : i32
      %rem3A_294 = arith.remsi %add3A_255, %rem3A_293 : i32
      %get3A = arith.index_cast %select_n3A_292 : i32 to index
      %get3A_295 = arith.constant 0 : index
      %get3A_296 = tpu.vector_load %arg11[%get3A, %get3A_295] {strides = array<i32>} : memref<64x64xf32, #tpu.memory_space<vmem>>, vector<16xf32>,
      %get3A_297 = arith.index_cast %select_n3A_292 : i32 to index
      %get3A_298 = arith.constant 16 : index
      %get3A_299 = tpu.vector_load %arg11[%get3A_297, %get3A_298] {strides = array<i32>} : memref<64x64xf32, #tpu.memory_space<vmem>>, vector<16xf32>,
      %get3A_300 = arith.index_cast %select_n3A_292 : i32 to index
      %get3A_301 = arith.constant 32 : index
      %get3A_302 = tpu.vector_load %arg11[%get3A_300, %get3A_301] {strides = array<i32>} : memref<64x64xf32, #tpu.memory_space<vmem>>, vector<16xf32>,
      %get3A_303 = arith.index_cast %select_n3A_292 : i32 to index
      %get3A_304 = arith.constant 48 : index
      %get3A_305 = tpu.vector_load %arg11[%get3A_303, %get3A_304] {strides = array<i32>} : memref<64x64xf32, #tpu.memory_space<vmem>>, vector<16xf32>,
      %parallel_loop3A = arith.constant 0 : i32
      %parallel_loop3A_306 = arith.constant 128 : i32
      %parallel_loop3A_307 = arith.constant 1 : i32
      scf.for %parallel_loop3A_456 = %parallel_loop3A to %parallel_loop3A_306 step %parallel_loop3A_307  : i32 {
        %parallel_loop3A_457 = arith.index_cast %parallel_loop3A_456 : i32 to index
        %parallel_loop3A_458 = arith.constant 0 : index
        %parallel_loop3A_459 = tpu.vector_load %arg7[%parallel_loop3A_457, %parallel_loop3A_458] {strides = array<i32>} : memref<128x64xf32, #tpu.memory_space<vmem>>, vector<16xf32>,
        %parallel_loop3A_460 = arith.addf %parallel_loop3A_459, %get3A_296 : vector<16xf32>
        %parallel_loop3A_461 = vector.broadcast %parallel_loop3A_456 : i32 to vector<16xi32>
        %parallel_loop3A_462 = arith.addi %broadcast_in_dim3A_36, %parallel_loop3A_461 : vector<16xi32>
        tpu.vector_store_idx %arg9[%select_n3A, %rem3A_70, %parallel_loop3A_462], %parallel_loop3A_460 : memref<8x8x129xf32, #tpu.memory_space<vmem>>[vector<16xi32>, vector<16xi32>, vector<16xi32>], vector<16xf32>,
        %parallel_loop3A_463 = arith.index_cast %parallel_loop3A_456 : i32 to index
        %parallel_loop3A_464 = arith.constant 16 : index
        %parallel_loop3A_465 = tpu.vector_load %arg7[%parallel_loop3A_463, %parallel_loop3A_464] {strides = array<i32>} : memref<128x64xf32, #tpu.memory_space<vmem>>, vector<16xf32>,
        %parallel_loop3A_466 = arith.addf %parallel_loop3A_465, %get3A_299 : vector<16xf32>
        %parallel_loop3A_467 = vector.broadcast %parallel_loop3A_456 : i32 to vector<16xi32>
        %parallel_loop3A_468 = arith.addi %broadcast_in_dim3A_36, %parallel_loop3A_467 : vector<16xi32>
        tpu.vector_store_idx %arg9[%select_n3A_105, %rem3A_112, %parallel_loop3A_468], %parallel_loop3A_466 : memref<8x8x129xf32, #tpu.memory_space<vmem>>[vector<16xi32>, vector<16xi32>, vector<16xi32>], vector<16xf32>,
        %parallel_loop3A_469 = arith.index_cast %parallel_loop3A_456 : i32 to index
        %parallel_loop3A_470 = arith.constant 32 : index
        %parallel_loop3A_471 = tpu.vector_load %arg7[%parallel_loop3A_469, %parallel_loop3A_470] {strides = array<i32>} : memref<128x64xf32, #tpu.memory_space<vmem>>, vector<16xf32>,
        %parallel_loop3A_472 = arith.addf %parallel_loop3A_471, %get3A_302 : vector<16xf32>
        %parallel_loop3A_473 = vector.broadcast %parallel_loop3A_456 : i32 to vector<16xi32>
        %parallel_loop3A_474 = arith.addi %broadcast_in_dim3A_36, %parallel_loop3A_473 : vector<16xi32>
        tpu.vector_store_idx %arg9[%select_n3A_147, %rem3A_154, %parallel_loop3A_474], %parallel_loop3A_472 : memref<8x8x129xf32, #tpu.memory_space<vmem>>[vector<16xi32>, vector<16xi32>, vector<16xi32>], vector<16xf32>,
        %parallel_loop3A_475 = arith.index_cast %parallel_loop3A_456 : i32 to index
        %parallel_loop3A_476 = arith.constant 48 : index
        %parallel_loop3A_477 = tpu.vector_load %arg7[%parallel_loop3A_475, %parallel_loop3A_476] {strides = array<i32>} : memref<128x64xf32, #tpu.memory_space<vmem>>, vector<16xf32>,
        %parallel_loop3A_478 = arith.addf %parallel_loop3A_477, %get3A_305 : vector<16xf32>
        %parallel_loop3A_479 = vector.broadcast %parallel_loop3A_456 : i32 to vector<16xi32>
        %parallel_loop3A_480 = arith.addi %broadcast_in_dim3A_36, %parallel_loop3A_479 : vector<16xi32>
        tpu.vector_store_idx %arg9[%select_n3A_189, %rem3A_196, %parallel_loop3A_480], %parallel_loop3A_478 : memref<8x8x129xf32, #tpu.memory_space<vmem>>[vector<16xi32>, vector<16xi32>, vector<16xi32>], vector<16xf32>,
      } {sc.loop_unroll_factor = 8 : i64, sc.parallel_access}
      %jit3A_308 = arith.constant 128 : i32
      %div3A_309 = arith.divsi %mul3A_4, %jit3A_308 : i32
      %sign3A_310 = arith.constant 0 : i32
      %sign3A_311 = arith.cmpi sgt, %mul3A_4, %sign3A_310 : i32
      %sign3A_312 = arith.extui %sign3A_311 : i1 to i32
      %sign3A_313 = arith.constant 0 : i32
      %sign3A_314 = arith.cmpi slt, %mul3A_4, %sign3A_313 : i32
      %sign3A_315 = arith.extui %sign3A_314 : i1 to i32
      %sign3A_316 = arith.subi %sign3A_312, %sign3A_315 : i32
      %sign3A_317 = arith.constant 0 : i32
      %sign3A_318 = arith.cmpi sgt, %jit3A_308, %sign3A_317 : i32
      %sign3A_319 = arith.extui %sign3A_318 : i1 to i32
      %sign3A_320 = arith.constant 0 : i32
      %sign3A_321 = arith.cmpi slt, %jit3A_308, %sign3A_320 : i32
      %sign3A_322 = arith.extui %sign3A_321 : i1 to i32
      %sign3A_323 = arith.subi %sign3A_319, %sign3A_322 : i32
      %ne3A_324 = arith.cmpi ne, %sign3A_316, %sign3A_323 : i32
      %rem3A_325 = arith.remsi %mul3A_4, %jit3A_308 : i32
      %ne3A_326 = arith.constant 0 : i32
      %ne3A_327 = arith.cmpi ne, %rem3A_325, %ne3A_326 : i32
      %and3A_328 = arith.andi %ne3A_324, %ne3A_327 : i1
      %sub3A_329 = arith.constant 1 : i32
      %sub3A_330 = arith.subi %div3A_309, %sub3A_329 : i32
      %select_n3A_331 = arith.select %and3A_328, %sub3A_330, %div3A_309 : i32
      %add3A_332 = arith.addi %select_n3A_331, %rem3A_294 : i32
      %dma_start3A_333 = arith.constant 0 : i32
      %dma_start3A_334 = arith.constant 0 : i32
      %dma_start3A_335 = arith.constant 0 : i32
      %dma_start3A_336 = tpu.memref_slice %arg9[%dma_start3A_333, %dma_start3A_334, %dma_start3A_335] : memref<8x8x129xf32, #tpu.memory_space<vmem>> -> memref<8x8x128xf32, #tpu.memory_space<vmem>>
      %dma_start3A_337 = arith.constant 0 : i32
      %dma_start3A_338 = arith.constant 0 : i32
      %dma_start3A_339 = arith.constant 0 : i32
      %dma_start3A_340 = tpu.memref_slice %arg5[%select_n3A_292, %dma_start3A_337, %add3A_332, %dma_start3A_338, %dma_start3A_339] : memref<50x8x128x8x128xf32, #tpu.memory_space<hbm>> -> memref<1x8x1x8x128xf32, #tpu.memory_space<hbm>>
      %dma_start3A_341 = tpu.memref_squeeze %dma_start3A_340 : memref<1x8x1x8x128xf32, #tpu.memory_space<hbm>> -> memref<8x8x128xf32, #tpu.memory_space<hbm>>
      %dma_start3A_342 = arith.constant 0 : i32
      %dma_start3A_343 = arith.constant 0 : i32
      %dma_start3A_344 = arith.constant 0 : i32
      %dma_start3A_345 = tpu.memref_slice %arg5[%select_n3A_292, %dma_start3A_342, %add3A_332, %dma_start3A_343, %dma_start3A_344] : memref<50x8x128x8x128xf32, #tpu.memory_space<hbm>> -> memref<1x8x1x8x128xf32, #tpu.memory_space<hbm>>
      %dma_start3A_346 = tpu.memref_squeeze %dma_start3A_345 : memref<1x8x1x8x128xf32, #tpu.memory_space<hbm>> -> memref<8x8x128xf32, #tpu.memory_space<hbm>>
      %dma_start3A_347 = arith.constant 0 : i32
      %dma_start3A_348 = arith.constant 0 : i32
      %dma_start3A_349 = arith.constant 0 : i32
      %dma_start3A_350 = tpu.memref_slice %arg9[%dma_start3A_347, %dma_start3A_348, %dma_start3A_349] : memref<8x8x129xf32, #tpu.memory_space<vmem>> -> memref<8x8x128xf32, #tpu.memory_space<vmem>>
      tpu.enqueue_dma source(%dma_start3A_350 : memref<8x8x128xf32, #tpu.memory_space<vmem>>) target(%dma_start3A_346 : memref<8x8x128xf32, #tpu.memory_space<hbm>>) target_semaphore(%arg14 : memref<!tpu.dma_semaphore, #tpu.memory_space<semaphore_mem>>)
      %mul3A_351 = arith.constant 2 : i32
      %mul3A_352 = arith.muli %scan3A_251, %mul3A_351 : i32
      %add3A_353 = arith.constant 1 : i32
      %add3A_354 = arith.addi %mul3A_352, %add3A_353 : i32
      %lt3A_355 = arith.constant 199 : i32
      %lt3A_356 = arith.cmpi slt, %add3A_354, %lt3A_355 : i32
      %convert_element_type3A_357 = arith.extui %lt3A_356 : i1 to i32
      %cond3A_358 = arith.constant 0 : i32
      %cond3A_359 = arith.cmpi ne, %convert_element_type3A_357, %cond3A_358 : i32
      scf.if %cond3A_359 {
        %add3A_456 = arith.constant 1 : i32
        %add3A_457 = arith.addi %add3A_354, %add3A_456 : i32
        %jit3A_458 = arith.constant 4 : i32
        %div3A_459 = arith.divsi %add3A_457, %jit3A_458 : i32
        %sign3A_460 = arith.constant 0 : i32
        %sign3A_461 = arith.cmpi sgt, %add3A_457, %sign3A_460 : i32
        %sign3A_462 = arith.extui %sign3A_461 : i1 to i32
        %sign3A_463 = arith.constant 0 : i32
        %sign3A_464 = arith.cmpi slt, %add3A_457, %sign3A_463 : i32
        %sign3A_465 = arith.extui %sign3A_464 : i1 to i32
        %sign3A_466 = arith.subi %sign3A_462, %sign3A_465 : i32
        %sign3A_467 = arith.constant 0 : i32
        %sign3A_468 = arith.cmpi sgt, %jit3A_458, %sign3A_467 : i32
        %sign3A_469 = arith.extui %sign3A_468 : i1 to i32
        %sign3A_470 = arith.constant 0 : i32
        %sign3A_471 = arith.cmpi slt, %jit3A_458, %sign3A_470 : i32
        %sign3A_472 = arith.extui %sign3A_471 : i1 to i32
        %sign3A_473 = arith.subi %sign3A_469, %sign3A_472 : i32
        %ne3A_474 = arith.cmpi ne, %sign3A_466, %sign3A_473 : i32
        %rem3A_475 = arith.remsi %add3A_457, %jit3A_458 : i32
        %ne3A_476 = arith.constant 0 : i32
        %ne3A_477 = arith.cmpi ne, %rem3A_475, %ne3A_476 : i32
        %and3A_478 = arith.andi %ne3A_474, %ne3A_477 : i1
        %sub3A_479 = arith.constant 1 : i32
        %sub3A_480 = arith.subi %div3A_459, %sub3A_479 : i32
        %select_n3A_481 = arith.select %and3A_478, %sub3A_480, %div3A_459 : i32
        %rem3A_482 = arith.constant 4 : i32
        %rem3A_483 = arith.remsi %add3A_457, %rem3A_482 : i32
        %mul3A_484 = arith.constant 128 : i32
        %mul3A_485 = arith.muli %rem3A_483, %mul3A_484 : i32
        %dma_start3A_486 = tpu.memref_slice %arg6[%select_n3A_481, %mul3A_485] : memref<50x512xi32, #tpu.memory_space<vmem>> -> memref<1x128xi32, #tpu.memory_space<vmem>>
        %dma_start3A_487 = tpu.memref_squeeze %dma_start3A_486 : memref<1x128xi32, #tpu.memory_space<vmem>> -> memref<128xi32, #tpu.memory_space<vmem>>
        %dma_start3A_488 = arith.constant 0 : i32
        %dma_start3A_489 = arith.constant 0 : i32
        %dma_start3A_490 = tpu.memref_slice %arg3[%dma_start3A_488, %dma_start3A_489] : memref<1000000x64xf32, #tpu.memory_space<hbm>> -> memref<1000000x64xf32, #tpu.memory_space<hbm>>
        tpu.enqueue_indirect_dma source(%dma_start3A_490 : memref<1000000x64xf32, #tpu.memory_space<hbm>>) target(%arg7 : memref<128x64xf32, #tpu.memory_space<vmem>>) offsets(%dma_start3A_487 : memref<128xi32, #tpu.memory_space<vmem>>) semaphore(%arg12 : memref<!tpu.dma_semaphore, #tpu.memory_space<semaphore_mem>>)
      } else {
      }
      %dma_wait3A_360 = arith.constant 0 : i32
      %dma_wait3A_361 = arith.constant 0 : i32
      %dma_wait3A_362 = tpu.memref_slice %arg6[%dma_wait3A_360, %dma_wait3A_361] : memref<50x512xi32, #tpu.memory_space<vmem>> -> memref<1x128xi32, #tpu.memory_space<vmem>>
      %dma_wait3A_363 = tpu.memref_squeeze %dma_wait3A_362 : memref<1x128xi32, #tpu.memory_space<vmem>> -> memref<128xi32, #tpu.memory_space<vmem>>
      %dma_wait3A_364 = arith.constant 0 : i32
      %dma_wait3A_365 = arith.constant 0 : i32
      %dma_wait3A_366 = tpu.memref_slice %arg3[%dma_wait3A_364, %dma_wait3A_365] : memref<1000000x64xf32, #tpu.memory_space<hbm>> -> memref<1000000x64xf32, #tpu.memory_space<hbm>>
      tpu.wait_indirect_dma semaphore(%arg13 : memref<!tpu.dma_semaphore, #tpu.memory_space<semaphore_mem>>) src(%dma_wait3A_366 : memref<1000000x64xf32, #tpu.memory_space<hbm>>) dst(%arg8 : memref<128x64xf32, #tpu.memory_space<vmem>>)
      %ge3A_367 = arith.constant 2 : i32
      %ge3A_368 = arith.cmpi sge, %add3A_354, %ge3A_367 : i32
      %convert_element_type3A_369 = arith.extui %ge3A_368 : i1 to i32
      %cond3A_370 = arith.constant 0 : i32
      %cond3A_371 = arith.cmpi ne, %convert_element_type3A_369, %cond3A_370 : i32
      scf.if %cond3A_371 {
        %dma_wait3A_456 = arith.constant 0 : i32
        %dma_wait3A_457 = arith.constant 0 : i32
        %dma_wait3A_458 = arith.constant 0 : i32
        %dma_wait3A_459 = arith.constant 0 : i32
        %dma_wait3A_460 = arith.constant 0 : i32
        %dma_wait3A_461 = tpu.memref_slice %arg10[%dma_wait3A_458, %dma_wait3A_459, %dma_wait3A_460] : memref<8x8x129xf32, #tpu.memory_space<vmem>> -> memref<8x8x128xf32, #tpu.memory_space<vmem>>
        %dma_wait3A_462 = arith.constant 0 : i32
        %dma_wait3A_463 = arith.constant 0 : i32
        %dma_wait3A_464 = arith.constant 0 : i32
        %dma_wait3A_465 = tpu.memref_slice %arg5[%dma_wait3A_456, %dma_wait3A_462, %dma_wait3A_457, %dma_wait3A_463, %dma_wait3A_464] : memref<50x8x128x8x128xf32, #tpu.memory_space<hbm>> -> memref<1x8x1x8x128xf32, #tpu.memory_space<hbm>>
        %dma_wait3A_466 = tpu.memref_squeeze %dma_wait3A_465 : memref<1x8x1x8x128xf32, #tpu.memory_space<hbm>> -> memref<8x8x128xf32, #tpu.memory_space<hbm>>
        %dma_wait3A_467 = arith.constant 0 : i32
        %dma_wait3A_468 = arith.constant 0 : i32
        %dma_wait3A_469 = arith.constant 0 : i32
        %dma_wait3A_470 = tpu.memref_slice %arg5[%dma_wait3A_456, %dma_wait3A_467, %dma_wait3A_457, %dma_wait3A_468, %dma_wait3A_469] : memref<50x8x128x8x128xf32, #tpu.memory_space<hbm>> -> memref<1x8x1x8x128xf32, #tpu.memory_space<hbm>>
        %dma_wait3A_471 = tpu.memref_squeeze %dma_wait3A_470 : memref<1x8x1x8x128xf32, #tpu.memory_space<hbm>> -> memref<8x8x128xf32, #tpu.memory_space<hbm>>
        %dma_wait3A_472 = arith.constant 0 : i32
        %dma_wait3A_473 = arith.constant 0 : i32
        %dma_wait3A_474 = arith.constant 0 : i32
        %dma_wait3A_475 = tpu.memref_slice %arg10[%dma_wait3A_472, %dma_wait3A_473, %dma_wait3A_474] : memref<8x8x129xf32, #tpu.memory_space<vmem>> -> memref<8x8x128xf32, #tpu.memory_space<vmem>>
        tpu.wait_dma2 semaphore(%arg15 : memref<!tpu.dma_semaphore, #tpu.memory_space<semaphore_mem>>) src(%dma_wait3A_475 : memref<8x8x128xf32, #tpu.memory_space<vmem>>) dst(%dma_wait3A_471 : memref<8x8x128xf32, #tpu.memory_space<hbm>>)
      } else {
      }
      %jit3A_372 = arith.constant 4 : i32
      %div3A_373 = arith.divsi %add3A_354, %jit3A_372 : i32
      %sign3A_374 = arith.constant 0 : i32
      %sign3A_375 = arith.cmpi sgt, %add3A_354, %sign3A_374 : i32
      %sign3A_376 = arith.extui %sign3A_375 : i1 to i32
      %sign3A_377 = arith.constant 0 : i32
      %sign3A_378 = arith.cmpi slt, %add3A_354, %sign3A_377 : i32
      %sign3A_379 = arith.extui %sign3A_378 : i1 to i32
      %sign3A_380 = arith.subi %sign3A_376, %sign3A_379 : i32
      %sign3A_381 = arith.constant 0 : i32
      %sign3A_382 = arith.cmpi sgt, %jit3A_372, %sign3A_381 : i32
      %sign3A_383 = arith.extui %sign3A_382 : i1 to i32
      %sign3A_384 = arith.constant 0 : i32
      %sign3A_385 = arith.cmpi slt, %jit3A_372, %sign3A_384 : i32
      %sign3A_386 = arith.extui %sign3A_385 : i1 to i32
      %sign3A_387 = arith.subi %sign3A_383, %sign3A_386 : i32
      %ne3A_388 = arith.cmpi ne, %sign3A_380, %sign3A_387 : i32
      %rem3A_389 = arith.remsi %add3A_354, %jit3A_372 : i32
      %ne3A_390 = arith.constant 0 : i32
      %ne3A_391 = arith.cmpi ne, %rem3A_389, %ne3A_390 : i32
      %and3A_392 = arith.andi %ne3A_388, %ne3A_391 : i1
      %sub3A_393 = arith.constant 1 : i32
      %sub3A_394 = arith.subi %div3A_373, %sub3A_393 : i32
      %select_n3A_395 = arith.select %and3A_392, %sub3A_394, %div3A_373 : i32
      %rem3A_396 = arith.constant 4 : i32
      %rem3A_397 = arith.remsi %add3A_354, %rem3A_396 : i32
      %get3A_398 = arith.index_cast %select_n3A_395 : i32 to index
      %get3A_399 = arith.constant 0 : index
      %get3A_400 = tpu.vector_load %arg11[%get3A_398, %get3A_399] {strides = array<i32>} : memref<64x64xf32, #tpu.memory_space<vmem>>, vector<16xf32>,
      %get3A_401 = arith.index_cast %select_n3A_395 : i32 to index
      %get3A_402 = arith.constant 16 : index
      %get3A_403 = tpu.vector_load %arg11[%get3A_401, %get3A_402] {strides = array<i32>} : memref<64x64xf32, #tpu.memory_space<vmem>>, vector<16xf32>,
      %get3A_404 = arith.index_cast %select_n3A_395 : i32 to index
      %get3A_405 = arith.constant 32 : index
      %get3A_406 = tpu.vector_load %arg11[%get3A_404, %get3A_405] {strides = array<i32>} : memref<64x64xf32, #tpu.memory_space<vmem>>, vector<16xf32>,
      %get3A_407 = arith.index_cast %select_n3A_395 : i32 to index
      %get3A_408 = arith.constant 48 : index
      %get3A_409 = tpu.vector_load %arg11[%get3A_407, %get3A_408] {strides = array<i32>} : memref<64x64xf32, #tpu.memory_space<vmem>>, vector<16xf32>,
      %parallel_loop3A_410 = arith.constant 0 : i32
      %parallel_loop3A_411 = arith.constant 128 : i32
      %parallel_loop3A_412 = arith.constant 1 : i32
      scf.for %parallel_loop3A_456 = %parallel_loop3A_410 to %parallel_loop3A_411 step %parallel_loop3A_412  : i32 {
        %parallel_loop3A_457 = arith.index_cast %parallel_loop3A_456 : i32 to index
        %parallel_loop3A_458 = arith.constant 0 : index
        %parallel_loop3A_459 = tpu.vector_load %arg8[%parallel_loop3A_457, %parallel_loop3A_458] {strides = array<i32>} : memref<128x64xf32, #tpu.memory_space<vmem>>, vector<16xf32>,
        %parallel_loop3A_460 = arith.addf %parallel_loop3A_459, %get3A_400 : vector<16xf32>
        %parallel_loop3A_461 = vector.broadcast %parallel_loop3A_456 : i32 to vector<16xi32>
        %parallel_loop3A_462 = arith.addi %broadcast_in_dim3A_36, %parallel_loop3A_461 : vector<16xi32>
        tpu.vector_store_idx %arg10[%select_n3A, %rem3A_70, %parallel_loop3A_462], %parallel_loop3A_460 : memref<8x8x129xf32, #tpu.memory_space<vmem>>[vector<16xi32>, vector<16xi32>, vector<16xi32>], vector<16xf32>,
        %parallel_loop3A_463 = arith.index_cast %parallel_loop3A_456 : i32 to index
        %parallel_loop3A_464 = arith.constant 16 : index
        %parallel_loop3A_465 = tpu.vector_load %arg8[%parallel_loop3A_463, %parallel_loop3A_464] {strides = array<i32>} : memref<128x64xf32, #tpu.memory_space<vmem>>, vector<16xf32>,
        %parallel_loop3A_466 = arith.addf %parallel_loop3A_465, %get3A_403 : vector<16xf32>
        %parallel_loop3A_467 = vector.broadcast %parallel_loop3A_456 : i32 to vector<16xi32>
        %parallel_loop3A_468 = arith.addi %broadcast_in_dim3A_36, %parallel_loop3A_467 : vector<16xi32>
        tpu.vector_store_idx %arg10[%select_n3A_105, %rem3A_112, %parallel_loop3A_468], %parallel_loop3A_466 : memref<8x8x129xf32, #tpu.memory_space<vmem>>[vector<16xi32>, vector<16xi32>, vector<16xi32>], vector<16xf32>,
        %parallel_loop3A_469 = arith.index_cast %parallel_loop3A_456 : i32 to index
        %parallel_loop3A_470 = arith.constant 32 : index
        %parallel_loop3A_471 = tpu.vector_load %arg8[%parallel_loop3A_469, %parallel_loop3A_470] {strides = array<i32>} : memref<128x64xf32, #tpu.memory_space<vmem>>, vector<16xf32>,
        %parallel_loop3A_472 = arith.addf %parallel_loop3A_471, %get3A_406 : vector<16xf32>
        %parallel_loop3A_473 = vector.broadcast %parallel_loop3A_456 : i32 to vector<16xi32>
        %parallel_loop3A_474 = arith.addi %broadcast_in_dim3A_36, %parallel_loop3A_473 : vector<16xi32>
        tpu.vector_store_idx %arg10[%select_n3A_147, %rem3A_154, %parallel_loop3A_474], %parallel_loop3A_472 : memref<8x8x129xf32, #tpu.memory_space<vmem>>[vector<16xi32>, vector<16xi32>, vector<16xi32>], vector<16xf32>,
        %parallel_loop3A_475 = arith.index_cast %parallel_loop3A_456 : i32 to index
        %parallel_loop3A_476 = arith.constant 48 : index
        %parallel_loop3A_477 = tpu.vector_load %arg8[%parallel_loop3A_475, %parallel_loop3A_476] {strides = array<i32>} : memref<128x64xf32, #tpu.memory_space<vmem>>, vector<16xf32>,
        %parallel_loop3A_478 = arith.addf %parallel_loop3A_477, %get3A_409 : vector<16xf32>
        %parallel_loop3A_479 = vector.broadcast %parallel_loop3A_456 : i32 to vector<16xi32>
        %parallel_loop3A_480 = arith.addi %broadcast_in_dim3A_36, %parallel_loop3A_479 : vector<16xi32>
        tpu.vector_store_idx %arg10[%select_n3A_189, %rem3A_196, %parallel_loop3A_480], %parallel_loop3A_478 : memref<8x8x129xf32, #tpu.memory_space<vmem>>[vector<16xi32>, vector<16xi32>, vector<16xi32>], vector<16xf32>,
      } {sc.loop_unroll_factor = 8 : i64, sc.parallel_access}
      %jit3A_413 = arith.constant 128 : i32
      %div3A_414 = arith.divsi %mul3A_4, %jit3A_413 : i32
      %sign3A_415 = arith.constant 0 : i32
      %sign3A_416 = arith.cmpi sgt, %mul3A_4, %sign3A_415 : i32
      %sign3A_417 = arith.extui %sign3A_416 : i1 to i32
      %sign3A_418 = arith.constant 0 : i32
      %sign3A_419 = arith.cmpi slt, %mul3A_4, %sign3A_418 : i32
      %sign3A_420 = arith.extui %sign3A_419 : i1 to i32
      %sign3A_421 = arith.subi %sign3A_417, %sign3A_420 : i32
      %sign3A_422 = arith.constant 0 : i32
      %sign3A_423 = arith.cmpi sgt, %jit3A_413, %sign3A_422 : i32
      %sign3A_424 = arith.extui %sign3A_423 : i1 to i32
      %sign3A_425 = arith.constant 0 : i32
      %sign3A_426 = arith.cmpi slt, %jit3A_413, %sign3A_425 : i32
      %sign3A_427 = arith.extui %sign3A_426 : i1 to i32
      %sign3A_428 = arith.subi %sign3A_424, %sign3A_427 : i32
      %ne3A_429 = arith.cmpi ne, %sign3A_421, %sign3A_428 : i32
      %rem3A_430 = arith.remsi %mul3A_4, %jit3A_413 : i32
      %ne3A_431 = arith.constant 0 : i32
      %ne3A_432 = arith.cmpi ne, %rem3A_430, %ne3A_431 : i32
      %and3A_433 = arith.andi %ne3A_429, %ne3A_432 : i1
      %sub3A_434 = arith.constant 1 : i32
      %sub3A_435 = arith.subi %div3A_414, %sub3A_434 : i32
      %select_n3A_436 = arith.select %and3A_433, %sub3A_435, %div3A_414 : i32
      %add3A_437 = arith.addi %select_n3A_436, %rem3A_397 : i32
      %dma_start3A_438 = arith.constant 0 : i32
      %dma_start3A_439 = arith.constant 0 : i32
      %dma_start3A_440 = arith.constant 0 : i32
      %dma_start3A_441 = tpu.memref_slice %arg10[%dma_start3A_438, %dma_start3A_439, %dma_start3A_440] : memref<8x8x129xf32, #tpu.memory_space<vmem>> -> memref<8x8x128xf32, #tpu.memory_space<vmem>>
      %dma_start3A_442 = arith.constant 0 : i32
      %dma_start3A_443 = arith.constant 0 : i32
      %dma_start3A_444 = arith.constant 0 : i32
      %dma_start3A_445 = tpu.memref_slice %arg5[%select_n3A_395, %dma_start3A_442, %add3A_437, %dma_start3A_443, %dma_start3A_444] : memref<50x8x128x8x128xf32, #tpu.memory_space<hbm>> -> memref<1x8x1x8x128xf32, #tpu.memory_space<hbm>>
      %dma_start3A_446 = tpu.memref_squeeze %dma_start3A_445 : memref<1x8x1x8x128xf32, #tpu.memory_space<hbm>> -> memref<8x8x128xf32, #tpu.memory_space<hbm>>
      %dma_start3A_447 = arith.constant 0 : i32
      %dma_start3A_448 = arith.constant 0 : i32
      %dma_start3A_449 = arith.constant 0 : i32
      %dma_start3A_450 = tpu.memref_slice %arg5[%select_n3A_395, %dma_start3A_447, %add3A_437, %dma_start3A_448, %dma_start3A_449] : memref<50x8x128x8x128xf32, #tpu.memory_space<hbm>> -> memref<1x8x1x8x128xf32, #tpu.memory_space<hbm>>
      %dma_start3A_451 = tpu.memref_squeeze %dma_start3A_450 : memref<1x8x1x8x128xf32, #tpu.memory_space<hbm>> -> memref<8x8x128xf32, #tpu.memory_space<hbm>>
      %dma_start3A_452 = arith.constant 0 : i32
      %dma_start3A_453 = arith.constant 0 : i32
      %dma_start3A_454 = arith.constant 0 : i32
      %dma_start3A_455 = tpu.memref_slice %arg10[%dma_start3A_452, %dma_start3A_453, %dma_start3A_454] : memref<8x8x129xf32, #tpu.memory_space<vmem>> -> memref<8x8x128xf32, #tpu.memory_space<vmem>>
      tpu.enqueue_dma source(%dma_start3A_455 : memref<8x8x128xf32, #tpu.memory_space<vmem>>) target(%dma_start3A_451 : memref<8x8x128xf32, #tpu.memory_space<hbm>>) target_semaphore(%arg15 : memref<!tpu.dma_semaphore, #tpu.memory_space<semaphore_mem>>)
    }
    %scan3A_211 = arith.constant 100 : i32
    %dma_wait3A = arith.constant 0 : i32
    %dma_wait3A_212 = arith.constant 0 : i32
    %dma_wait3A_213 = arith.constant 0 : i32
    %dma_wait3A_214 = arith.constant 0 : i32
    %dma_wait3A_215 = arith.constant 0 : i32
    %dma_wait3A_216 = tpu.memref_slice %arg9[%dma_wait3A_213, %dma_wait3A_214, %dma_wait3A_215] : memref<8x8x129xf32, #tpu.memory_space<vmem>> -> memref<8x8x128xf32, #tpu.memory_space<vmem>>
    %dma_wait3A_217 = arith.constant 0 : i32
    %dma_wait3A_218 = arith.constant 0 : i32
    %dma_wait3A_219 = arith.constant 0 : i32
    %dma_wait3A_220 = tpu.memref_slice %arg5[%dma_wait3A, %dma_wait3A_217, %dma_wait3A_212, %dma_wait3A_218, %dma_wait3A_219] : memref<50x8x128x8x128xf32, #tpu.memory_space<hbm>> -> memref<1x8x1x8x128xf32, #tpu.memory_space<hbm>>
    %dma_wait3A_221 = tpu.memref_squeeze %dma_wait3A_220 : memref<1x8x1x8x128xf32, #tpu.memory_space<hbm>> -> memref<8x8x128xf32, #tpu.memory_space<hbm>>
    %dma_wait3A_222 = arith.constant 0 : i32
    %dma_wait3A_223 = arith.constant 0 : i32
    %dma_wait3A_224 = arith.constant 0 : i32
    %dma_wait3A_225 = tpu.memref_slice %arg5[%dma_wait3A, %dma_wait3A_222, %dma_wait3A_212, %dma_wait3A_223, %dma_wait3A_224] : memref<50x8x128x8x128xf32, #tpu.memory_space<hbm>> -> memref<1x8x1x8x128xf32, #tpu.memory_space<hbm>>
    %dma_wait3A_226 = tpu.memref_squeeze %dma_wait3A_225 : memref<1x8x1x8x128xf32, #tpu.memory_space<hbm>> -> memref<8x8x128xf32, #tpu.memory_space<hbm>>
    %dma_wait3A_227 = arith.constant 0 : i32
    %dma_wait3A_228 = arith.constant 0 : i32
    %dma_wait3A_229 = arith.constant 0 : i32
    %dma_wait3A_230 = tpu.memref_slice %arg9[%dma_wait3A_227, %dma_wait3A_228, %dma_wait3A_229] : memref<8x8x129xf32, #tpu.memory_space<vmem>> -> memref<8x8x128xf32, #tpu.memory_space<vmem>>
    tpu.wait_dma2 semaphore(%arg14 : memref<!tpu.dma_semaphore, #tpu.memory_space<semaphore_mem>>) src(%dma_wait3A_230 : memref<8x8x128xf32, #tpu.memory_space<vmem>>) dst(%dma_wait3A_226 : memref<8x8x128xf32, #tpu.memory_space<hbm>>)
    %dma_wait3A_231 = arith.constant 0 : i32
    %dma_wait3A_232 = arith.constant 0 : i32
    %dma_wait3A_233 = arith.constant 0 : i32
    %dma_wait3A_234 = arith.constant 0 : i32
    %dma_wait3A_235 = arith.constant 0 : i32
    %dma_wait3A_236 = tpu.memref_slice %arg10[%dma_wait3A_233, %dma_wait3A_234, %dma_wait3A_235] : memref<8x8x129xf32, #tpu.memory_space<vmem>> -> memref<8x8x128xf32, #tpu.memory_space<vmem>>
    %dma_wait3A_237 = arith.constant 0 : i32
    %dma_wait3A_238 = arith.constant 0 : i32
    %dma_wait3A_239 = arith.constant 0 : i32
    %dma_wait3A_240 = tpu.memref_slice %arg5[%dma_wait3A_231, %dma_wait3A_237, %dma_wait3A_232, %dma_wait3A_238, %dma_wait3A_239] : memref<50x8x128x8x128xf32, #tpu.memory_space<hbm>> -> memref<1x8x1x8x128xf32, #tpu.memory_space<hbm>>
    %dma_wait3A_241 = tpu.memref_squeeze %dma_wait3A_240 : memref<1x8x1x8x128xf32, #tpu.memory_space<hbm>> -> memref<8x8x128xf32, #tpu.memory_space<hbm>>
    %dma_wait3A_242 = arith.constant 0 : i32
    %dma_wait3A_243 = arith.constant 0 : i32
    %dma_wait3A_244 = arith.constant 0 : i32
    %dma_wait3A_245 = tpu.memref_slice %arg5[%dma_wait3A_231, %dma_wait3A_242, %dma_wait3A_232, %dma_wait3A_243, %dma_wait3A_244] : memref<50x8x128x8x128xf32, #tpu.memory_space<hbm>> -> memref<1x8x1x8x128xf32, #tpu.memory_space<hbm>>
    %dma_wait3A_246 = tpu.memref_squeeze %dma_wait3A_245 : memref<1x8x1x8x128xf32, #tpu.memory_space<hbm>> -> memref<8x8x128xf32, #tpu.memory_space<hbm>>
    %dma_wait3A_247 = arith.constant 0 : i32
    %dma_wait3A_248 = arith.constant 0 : i32
    %dma_wait3A_249 = arith.constant 0 : i32
    %dma_wait3A_250 = tpu.memref_slice %arg10[%dma_wait3A_247, %dma_wait3A_248, %dma_wait3A_249] : memref<8x8x129xf32, #tpu.memory_space<vmem>> -> memref<8x8x128xf32, #tpu.memory_space<vmem>>
    tpu.wait_dma2 semaphore(%arg15 : memref<!tpu.dma_semaphore, #tpu.memory_space<semaphore_mem>>) src(%dma_wait3A_250 : memref<8x8x128xf32, #tpu.memory_space<vmem>>) dst(%dma_wait3A_246 : memref<8x8x128xf32, #tpu.memory_space<hbm>>)
    return
  }
}

</mosaic_0001>

<sc_bundles>
// kernel: kernel.3.cloned.1.call-start
scs
__scs_entry_jumppad:
0x0: {  	(pc) =	sbr.rel $0x88, $3  }
0x1: {  	(tag) =	ssettag $0x0;
	lr =	simm.s32 $0x1  }
0x2: {  	[smem:$0x3F9E] =	sst lr;
	_ =	strace $0xD0000000  }
0x3: {  	_ = 	snop  }
0x4: {  	_ = 	snop  }
0x5: {  	_ = 	snop  }
0x6: {  	_ = 	snop  }
0x7: {  	_ = 	snop  }
__scs_overlays_trampoline_lowered:
0x8: {  	[smem:$0x3FAD] =	sst s0  }
0x9: {  	[smem:$0x3FAE] =	sst s1  }
0xa: {  	[smem:$0x3FAF] =	sst s2  }
0xb: {  	[smem:$0x3FB0] =	sst s3  }
0xc: {  	[smem:$0x3FB1] =	sst s4  }
0xd: {  	[smem:$0x3FB2] =	sst s5  }
0xe: {  	[smem:$0x3FB3] =	sst s6  }
0xf: {  	[smem:$0x3FB4] =	sst s7  }
0x10: {  	[smem:$0x3FB5] =	sst s8  }
0x11: {  	[smem:$0x3FB6] =	sst s9;
	s0 =	simm.s32 @!p0 $0x0  }
0x12: {  	s1 =	sld [smem:$0x3F9C];
	s0 =	simm.s32 @p0 $0x1  }
0x13: {  	[smem:$0x3FB7] =	sst s0;
	s0 =	simm.s32 @!p1 $0x0  }
0x14: {  	s2 =	sld [smem:$0x3F9B];
	s0 =	simm.s32 @p1 $0x1  }
0x15: {  	[smem:$0x3FB8] =	sst s0;
	s0 =	simm.s32 @!p2 $0x0  }
0x16: {  	s3 =	sld [smem:$0x3FDB];
	s0 =	simm.s32 @p2 $0x1  }
0x17: {  	s4 =	simm.s32 $0x1BF5;
	[smem:$0x3FBA] =	sst s0  }
0x18: {  	s0 =	sld [smem:$0x3F9D];
	_ =	swait.ge [sflag:s4], $0x0  }
0x19: {  	s7 =	sld [smem:$0x3F9E]  }
0x1a: {  	s8 =	sadd.s32 $0xFFFFE003, lr  }
0x1b: {  	s9 =	sadd.s32 $0xFFFFFEF7, lr;
	s5 =	simm.s32 $0xFFFFFFFF;
	p2 =	slt.u32 s8, $0xFFFFF086  }
0x1c: {  	p1 =	slt.u32 s9, $0xF7A;
	s5 =	simm.s32 @!p2 $0x0  }
0x1d: {  	s5 =	simm.s32 @p1 $0x1;
	p0 =	seq.s32 s7, s2  }
0x1e: {  	s7 =	smul.u32 @!p0 $0xF7A, s2;
	p2 =	seq.s32 @!p0 s5, $0x0  }
0x1f: {  	s9 =	smul.u32 $0xF7A, s1;
	s8 =	simm.s32 @!p0 $0x1BF5;
	p2 =	por !p2, p0  }
0x20: {  	[sflag:s8] =	ssyncset.s32 @!p0 $0xFFFFF086;
	s6 =	sadd.s32 @!p0 s3, s7;
	s7 =	simm.s32 @!p0 $0x108  }
0x21: {  	s3 =	sadd.s32 s3, s9;
	s6 =	sadd.s32 @!p0 $0x88, s6;
	s7 =	simm.s32 @p2 $0x1082  }
0x22: {  	[simem:s7], [sflag:s8] =	dma.local @!p0 [hbm:s6], $0xF7A  }
0x23: {  	s9 =	sor.u32 $0xD0000000, s2;
	s6 =	simm.s32 $0x108;
	_ =	swait.ge @!p0 [sflag:s8], $0x0  }
0x24: {  	s3 =	sadd.s32 $0x88, s3;
	s6 =	simm.s32 @!p1 $0x1082;
	[sflag:s4] =	ssyncset.s32 $0xFFFFF086  }
0x25: {  	[simem:s6], [sflag:s4] =	dma.local [hbm:s3], $0xF7A  }
0x26: {  	[smem:$0x3F9E] =	sst s1;
	(tag) =	ssettag s2;
	_ =	strace s9  }
0x27: {  	s1 =	sld [smem:$0x3FAE]  }
0x28: {  	s2 =	sld [smem:$0x3FAF]  }
0x29: {  	s4 =	sld [smem:$0x3FB1]  }
0x2a: {  	p0 =	seq.s32 s5, $0x0;
	s5 =	sld [smem:$0x3FB2]  }
0x2b: {  	s6 =	sld [smem:$0x3FB3]  }
0x2c: {  	s7 =	sld [smem:$0x3FB4]  }
0x2d: {  	s3 =	simm.s32 $0x108;
	s8 =	sld [smem:$0x3FB5]  }
0x2e: {  	s3 =	simm.s32 @!p0 $0x1082;
	s9 =	sld [smem:$0x3FB6]  }
0x2f: {  	lr =	sadd.s32 s0, s3;
	s0 =	sld [smem:$0x3FAD]  }
0x30: {  	s3 =	sld [smem:$0x3FB0]  }
0x31: {  	[smem:$0x3FB9] =	sst s10  }
0x32: {  	s10 =	sld [smem:$0x3FB7];
	_ =	sdelay $0x3  }
0x33: {  	p0 =	seq.s32 s10, $0x1;
	s10 =	sld [smem:$0x3FB9];
	_ =	sdelay $0x3  }
0x34: {  	[smem:$0x3FB9] =	sst s10  }
0x35: {  	s10 =	sld [smem:$0x3FB8];
	_ =	sdelay $0x3  }
0x36: {  	p1 =	seq.s32 s10, $0x1;
	s10 =	sld [smem:$0x3FB9];
	_ =	sdelay $0x3  }
0x37: {  	[smem:$0x3FB9] =	sst s10  }
0x38: {  	s10 =	sld [smem:$0x3FBA]  }
0x39: {  	_ = 	snop;
	(pc) =	sbr.ind lr, $3  }
0x3a: {  	_ = 	snop  }
0x3b: {  	_ = 	snop  }
0x3c: {  	p2 =	seq.s32 s10, $0x1;
	s10 =	sld [smem:$0x3FB9]  }
0x3d: {  	_ =	shalt  }
0x3e: {  	_ =	shalt  }
0x3f: {  	_ =	shalt  }
0x40: {  	_ =	shalt  }
0x41: {  	_ =	shalt  }
0x42: {  	_ =	shalt  }
0x43: {  	_ =	shalt  }
0x44: {  	_ =	shalt  }
0x45: {  	_ =	shalt  }
0x46: {  	_ =	shalt  }
0x47: {  	_ =	shalt  }
0x48: {  	_ =	shalt  }
0x49: {  	_ =	shalt  }
0x4a: {  	_ =	shalt  }
0x4b: {  	_ =	shalt  }
0x4c: {  	_ =	shalt  }
0x4d: {  	_ =	shalt  }
0x4e: {  	_ =	shalt  }
0x4f: {  	_ =	shalt  }
0x50: {  	_ =	shalt  }
0x51: {  	_ =	shalt  }
0x52: {  	_ =	shalt  }
0x53: {  	_ =	shalt  }
0x54: {  	_ =	shalt  }
0x55: {  	_ =	shalt  }
0x56: {  	_ =	shalt  }
0x57: {  	_ =	shalt  }
0x58: {  	_ =	shalt  }
0x59: {  	_ =	shalt  }
0x5a: {  	_ =	shalt  }
0x5b: {  	_ =	shalt  }
0x5c: {  	_ =	shalt  }
0x5d: {  	_ =	shalt  }
0x5e: {  	_ =	shalt  }
0x5f: {  	_ =	shalt  }
0x60: {  	_ =	shalt  }
0x61: {  	_ =	shalt  }
0x62: {  	_ =	shalt  }
0x63: {  	_ =	shalt  }
0x64: {  	_ =	shalt  }
0x65: {  	_ =	shalt  }
0x66: {  	_ =	shalt  }
0x67: {  	_ =	shalt  }
0x68: {  	_ =	shalt  }
0x69: {  	_ =	shalt  }
0x6a: {  	_ =	shalt  }
0x6b: {  	_ =	shalt  }
0x6c: {  	_ =	shalt  }
0x6d: {  	_ =	shalt  }
0x6e: {  	_ =	shalt  }
0x6f: {  	_ =	shalt  }
0x70: {  	_ =	shalt  }
0x71: {  	_ =	shalt  }
0x72: {  	_ =	shalt  }
0x73: {  	_ =	shalt  }
0x74: {  	_ =	shalt  }
0x75: {  	_ =	shalt  }
0x76: {  	_ =	shalt  }
0x77: {  	_ =	shalt  }
0x78: {  	_ =	shalt  }
0x79: {  	_ =	shalt  }
0x7a: {  	_ =	shalt  }
0x7b: {  	_ =	shalt  }
0x7c: {  	_ =	shalt  }
0x7d: {  	_ =	shalt  }
0x7e: {  	_ =	shalt  }
0x7f: {  	_ =	shalt  }
0x80: {  	_ =	shalt  }
0x81: {  	_ =	shalt  }
0x82: {  	_ =	shalt  }
0x83: {  	_ =	shalt  }
0x84: {  	_ =	shalt  }
0x85: {  	_ =	shalt  }
0x86: {  	_ =	shalt  }
0x87: {  	_ =	shalt  }
.Lfunc_end0:
.L_simem_size_0:
called_computation_lowered:
.L_overlay_start_0:
0x88: {  	s2 =	sld [smem:$0x3FD9]  }
0x89: {  	s3 =	sld [smem:$0x3FFE];
	_ =	sdelay $0x1  }
0x8a: {  	s1 =	srdreg.scid  }
0x8b: {  	s0 =	sand.u32 $0x1, s1  }
0x8c: {  	s17 =	sshll.u32 s0, $0xA;
	s2 =	sadd.s32 s3, s2  }
0x8d: {  	s2 =	sadd.s32 s2, s17  }
0x8e: {  	[smem:$0x3FC5] =	sst s2  }
0x8f: {  	_ = 	snop  }
0x90: {  	s2 =	sld [smem:$0x3FD0];
	(tm) =	ssettm $0x1  }
0x91: {  	s18 =	sld [smem:$0x3FFB];
	_ =	sdelay $0x3  }
0x92: {  	_ =	strace s18  }
0x93: {  	s3 =	sld [smem:$0x3FFC];
	_ =	sdelay $0x3  }
0x94: {  	_ =	strace s3  }
0x95: {  	s3 =	sld [smem:$0x3FFD];
	_ =	sdelay $0x3  }
0x96: {  	_ =	strace s3  }
0x97: {  	_ =	strace $0x8FFFFFFF  }
0x98: {  	s19 =	sld [smem:$0x3FDB];
	_ =	sdelay $0x1  }
0x99: {  	s4 =	simm.s32 $_scs_section_size  }
0x9a: {  	s5 =	simm.s32 $_size__tile_overlayer_lowered;
	s6 =	simm.s32 $_tile_overlayer_lowered  }
0x9b: {  	s22 =	simm.s32 $0x1BFF;
	s21 =	sshll.u32 s6, $0x1;
	s3 =	sadd.s32 s4, s19  }
0x9c: {  	s7 =	simm.s32 $0x0;
	s20 =	sshll.u32 s5, $0x1;
	s5 =	sadd.s32 s21, s3  }
0x9d: {  	[timem:s7], [sflag:s22] =	dma.local [hbm:s5], s20  }
0x9e: {  	_ =	swait.ge [sflag:s22], s20  }
0x9f: {  	s4 =	ssub.s32 $0x0, s20;
	[sflag:s22] =	ssyncset.done $0x0  }
0xa0: {  	[sflag:s22] =	ssyncadd.s32 s4;
	_ =	sdelay $0x1  }
0xa1: {  	s23 =	simm.s32 $0x1B8B  }
0xa2: {  	_ =	swait.ge [sflag:s23], $0x1  }
0xa3: {  	[sflag:s23] =	ssyncset.done $0x0  }
0xa4: {  	s25 =	simm.s32 $0x1B8E;
	s24 =	sld [smem:$0x3FFE];
	[sflag:s23] =	ssyncadd.s32 $0xFFFFFFFF  }
0xa5: {  	s26 =	simm.s32 $execute0_lowered;
	[smem:$0x3FD2] =	sst s25  }
0xa6: {  	s5 =	sshll.u32 s26, $0x1;
	_ =	strace $0x80000046;
	[dreg:$0x1] =	wrdreg $0xFFFFFFFF  }
0xa7: {  	s28 =	simm.s32 $_size_execute0_lowered;
	s3 =	sadd.s32 s3, s5;
	[dreg:$0x0] =	wrdreg $0x0  }
0xa8: {  	s5 =	sshll.u32 s28, $0x1;
	[dreg:$0x2] =	wrdreg s3  }
0xa9: {  	[dreg:$0x3] =	wrdreg s5  }
0xaa: {  	[dreg:$0x4] =	wrdreg $0xC0  }
0xab: {  	_ =	task [dreg:s7], $0x5FFFF  }
0xac: {  	[dreg:$0x1] =	wrdreg $0xFFFFFFFF  }
0xad: {  	[dreg:$0x0] =	wrdreg $0x60  }
0xae: {  	[dreg:$0x2] =	wrdreg s24  }
0xaf: {  	[dreg:$0x3] =	wrdreg s2  }
0xb0: {  	[dreg:$0x4] =	wrdreg $0x9  }
0xb1: {  	_ =	task.clear_ibuf [dreg:s7], $0x5FFFF;
	_ =	strace $0x90000046  }
0xb2: {  	s29 =	simm.s32 $0x9;
	_ =	strace $0x80000048  }
0xb3: {  	_ =	swait.ge [sflag:s29], $0x1  }
0xb4: {  	[sflag:s29] =	ssyncadd.s32 $0xFFFFFFFF  }
0xb5: {  	_ =	strace $0x90000048  }
0xb6: {  	_ =	sfence  }
0xb7: {  	s30 =	sld [smem:$0x0];
	_ =	sdelay $0x2  }
0xb8: {  	s31 =	sshll.u32 s1, $0xD;
	s1 =	sshrl.u32 s1, $0x2  }
0xb9: {  	s3 =	sand.u32 $0x4000, s31;
	s1 =	sadd.s32 s1, s30  }
0xba: {  	s0 =	sor.u32 s3, s0;
	s1 =	sshll.u32 s1, $0x11  }
0xbb: {  	s0 =	sor.u32 s1, s0  }
0xbc: {  	s0 =	sadd.s32 $0x8F2B, s0  }
0xbd: {  	[sflag:s0] =	ssyncadd.remote.s32 $0x1  }
0xbe: {  	_ =	sfence.sel $0xFFFF  }
0xbf: {  	[dreg:$0x0] =	wrdreg $0xFFFFFFFF;
	(pc) =	sbr.abs _section_cstart, $3  }
0xc0: {  	[dreg:$0x1] =	wrdreg $0xFFFFFFFF  }
0xc1: {  	_ =	task.clear_ibuf [dreg:s7], $0x2FFFF;
	_ =	strace $0x9FFFFFFF  }
0xc2: {  	(tm) =	ssettm $0x7FFFFFFF  }
0xc3: {  	_ =	shalt  }
tec
execute0_lowered:
.L_overlay_start_1:
0x0: {  	(tag) =	ssettag $0x1  }
0x1: {  	v0 =	vlaneseq.u32;
	s3 =	stileid.u32  }
0x2: {  	s1 =	rddreg [dreg:$0x0];
	v20 =	vmul.u32 $0x88, v0;
	s4 =	sshll.u32 s3, $0xA;
	s3 =	simm.s32 $0x0  }
0x3: {  	vm0 =	vcmask $0x300;
	v0 =	vimm.s32 $0x0;
	[smem:$0x7FF] =	sst s3  }
0x4: {  	s2 =	rddreg [dreg:$0x1];
	v1 =	vsel vm0, $0x3, v0;
	_ =	strace $0x80000047;
	v0 =	vadd.s32 $0x1105, v20;
	[tilespmem:$0x1FFA0] =	vst v20  }
0x5: {  	v57 =	vadd.s32 $0x880, v20;
	[tilespmem:$0x1FE00] =	vst v0  }
0x6: {  	v3 =	vadd.s32 $0x1980, v20;
	[tilespmem:$0x1FE40] =	vst v57  }
0x7: {  	v2 =	vadd.s32 $0x1981, v20;
	[tilespmem:$0x1FE50] =	vst v3  }
0x8: {  	v14 =	vor.u32 $0x3, v20;
	[tilespmem:$0x1FE60] =	vst v2  }
0x9: {  	v15 =	vadd.s32 $0x883, v20;
	[tilespmem:$0x1FE70] =	vst v14  }
0xa: {  	v16 =	vadd.s32 $0x1103, v20;
	[tilespmem:$0x1FE80] =	vst v15  }
0xb: {  	v22 =	vadd.s32 $0x1983, v20;
	[tilespmem:$0x1FE90] =	vst v16  }
0xc: {  	v8 =	vor.u32 $0x4, v20;
	[tilespmem:$0x1FEA0] =	vst v22  }
0xd: {  	v29 =	vadd.s32 $0x884, v20;
	[tilespmem:$0x1FEB0] =	vst v8  }
0xe: {  	v24 =	vadd.s32 $0x1104, v20;
	[tilespmem:$0x1FEC0] =	vst v29  }
0xf: {  	v25 =	vadd.s32 $0x1984, v20;
	[tilespmem:$0x1FED0] =	vst v24  }
0x10: {  	v26 =	vor.u32 $0x5, v20;
	[tilespmem:$0x1FEE0] =	vst v25  }
0x11: {  	v27 =	vor.u32 $0x6, v20;
	[tilespmem:$0x1FEF0] =	vst v26  }
0x12: {  	v31 =	vadd.s32 $0x886, v20;
	[tilespmem:$0x1FF00] =	vst v27  }
0x13: {  	v52 =	vadd.s32 $0x1986, v20;
	[tilespmem:$0x1FF10] =	vst v31  }
0x14: {  	v51 =	vor.u32 $0x7, v20;
	[tilespmem:$0x1FF20] =	vst v52  }
0x15: {  	v53 =	vadd.s32 $0x887, v20;
	[tilespmem:$0x1FF30] =	vst v51  }
0x16: {  	v55 =	vadd.s32 $0x1107, v20;
	[tilespmem:$0x1FF40] =	vst v53  }
0x17: {  	v54 =	vadd.s32 $0x1100, v20;
	[tilespmem:$0x1FF50] =	vst v55  }
0x18: {  	v30 =	vor.u32 $0x1, v20;
	[tilespmem:$0x1FF60] =	vst v54  }
0x19: {  	v41 =	vadd.s32 $0x1101, v20;
	[tilespmem:$0x1FF70] =	vst v30  }
0x1a: {  	v19 =	vadd.s32 $0x1102, v20;
	[tilespmem:$0x1FF80] =	vst v41  }
0x1b: {  	v21 =	vadd.s32 $0x882, v20;
	[tilespmem:$0x1FF90] =	vst v19  }
0x1c: {  	s0 =	srdreg.scid;
	s11 =	simm.s32 $0x5;
	s13 =	simm.s32 $0x80;
	v58 =	vadd.s32 $0x885, v20;
	[tilespmem:$0x1FFB0] =	vst v21  }
0x1d: {  	s15 =	simm.s32 $0x8400;
	s16 =	simm.s32 $0x1;
	s17 =	simm.s32 $0xA400;
	v23 =	vadd.s32 $0x1982, v20;
	[tilespmem:$0x1FFC0] =	vst v58  }
0x1e: {  	s18 =	simm.s32 $0x2;
	s19 =	simm.s32 $0xC600;
	s0 =	sand.u32 $0x1, s0;
	v59 =	vadd.s32 $0x881, v20;
	[tilespmem:$0x1FFD0] =	vst v23  }
0x1f: {  	s20 =	simm.s32 $0x3;
	s21 =	simm.s32 $0x4;
	s5 =	sshll.u32 s0, $0x9;
	v61 =	vor.u32 $0x2, v20;
	[tilespmem:$0x1FFE0] =	vst v59  }
0x20: {  	s22 =	simm.s32 $0x0;
	s0 =	ssub.s32 $0x2, s0;
	s7 =	sor.u32 s5, s4;
	v0 =	vadd.s32 $0x1985, v20;
	[tilespmem:$0x1FFF0] =	vst v61  }
0x21: {  	s5 =	sadd.s32 $0x19800, s1;
	s31 =	sshrl.u32 s0, $0x1;
	s4 =	sshrl.u32 s7, $0x3;
	[tilespmem:$0x1FE10] =	vst v0;
	v0 =	vadd.s32 $0x1106, v20  }
0x22: {  	s0 =	ssub.s32 s0, s31;
	s7 =	sshrl.u32 s7, $0x7;
	s6 =	sadd.s32 s4, s1;
	[tilespmem:$0x1FE20] =	vst v0;
	v0 =	vadd.s32 $0x1987, v20  }
0x23: {  	s4 =	sadd.s32 $0xF42C00, s1;
	s8 =	smax.u32 s0, $0x1;
	s6 =	sadd.s32 $0x800, s6;
	[tilespmem:$0x1FE30] =	vst v0  }
.LBB2_1:
0x24: {  	s0 =	simm.s32 $0x200;
	s1 =	simm.s32 $0x4000  }
0x25: {  	[tilespmem:s3], [sflag:$0x5] =	stream.strided.gather [hbm4b:s6+s0], $0x6400, s1, s0, $0x38;
	[tilespmem:$0xF800] =	vst v63  }
0x26: {  	_ =	swait.ge [sflag:s11], $0x6400  }
0x27: {  	[sflag:s11] =	ssyncset.done $0x0  }
0x28: {  	s30 =	simm.s32 $0xE800;
	[sflag:s11] =	ssyncadd.s32 $0xFFFF9C00  }
0x29: {  	[tilespmem:s30], [sflag:$0x5] =	stream.linear.gather [hbm4b:s5+s3], $0x1000, $0x38;
	[tilespmem:$0xF800] =	vst v63  }
0x2a: {  	_ =	swait.ge [sflag:s11], $0x1000  }
0x2b: {  	[sflag:s11] =	ssyncset.done $0x0  }
0x2c: {  	s31 =	simm.s32 $0x6400;
	s23 =	simm.s32 $0x0;
	[sflag:s11] =	ssyncadd.s32 $0xFFFFF000  }
0x2d: {  	[tilespmem:s31], [sflag:$0x1] =	stream.indirect.gather [hbm4b:s4+s13], $0x40, s3, s13, $0xb8;
	[tilespmem:$0xF800] =	vst v63  }
.LBB2_2:
0x2e: {  	s0 =	sshll.u32 s23, $0x8  }
0x2f: {  	s0 =	sand.u32 $0x7F00, s0  }
0x30: {  	s0 =	sor.u32 $0x80, s0  }
0x31: {  	[tilespmem:s15], [sflag:$0x2] =	stream.indirect.gather [hbm4b:s4+s13], $0x40, s0, s13, $0xb8;
	[tilespmem:$0xF800] =	vst v63  }
0x32: {  	_ =	swait.ge [sflag:s16], $0x2000  }
0x33: {  	p0 =	seq.s32 s23, $0x0;
	[sflag:s16] =	ssyncset.done $0x0  }
0x34: {  	s0 =	simm.s32 @!p0 $0x3;
	[sflag:s16] =	ssyncadd.s32 $0xFFFFE000  }
0x35: {  	s24 =	simm.s32 $0x4;
	_ =	swait.ge @!p0 [sflag:s0], $0x2000  }
0x36: {  	s25 =	sshll.u32 s23, $0x5;
	s14 =	simm.s32 $0x2;
	v2 =	vmov s24;
	[sflag:s0] =	ssyncset.done @!p0 $0x0  }
0x37: {  	s24 =	sand.u32 $0x3FFFFFC0, s25;
	v4 =	vmov s14;
	v2 =	vshrl.u32 v2, $0x3;
	[sflag:s0] =	ssyncadd.s32 @!p0 $0xFFFFE000  }
0x38: {  	s26 =	simm.s32 $0x7;
	s29 =	simm.s32 $0x6500;
	v4 =	vshrl.u32 v4, $0x3;
	v2 =	vshll.u32 v2, v1;
	v36 =	vld [tilespmem:s24+$0xE800]  }
0x39: {  	s9 =	simm.s32 $0x1;
	s12 =	simm.s32 $0x3;
	v3 =	vmov s26;
	v4 =	vshll.u32 v4, v1;
	v2 =	vbroadcast v2, $0x0;
	v6 =	vld [tilespmem:s29+$0x0]  }
0x3a: {  	s25 =	simm.s32 $0x5;
	v7 =	vmov s9;
	v10 =	vmov s12;
	v4 =	vbroadcast v4, $0x0;
	v35 =	vld [tilespmem:s24+$0xE810]  }
0x3b: {  	v9 =	vmovc v8;
	v5 =	vmov s25;
	v7 =	vshrl.u32 v7, $0x3;
	v8 =	vadd.s32 v8, v2;
	v11 =	vld [tilespmem:s29+$0xFFFFFF80]  }
0x3c: {  	v10 =	vshrl.u32 v10, $0x3;
	v5 =	vshrl.u32 v5, $0x3;
	v17 =	vadd.s32 v19, v4;
	v34 =	vld [tilespmem:s24+$0xE820]  }
0x3d: {  	v7 =	vshll.u32 v7, v1;
	v10 =	vshll.u32 v10, v1;
	v12 =	vadd.s32 v61, v4;
	v13 =	vld [tilespmem:s29+$0xFFFFFF40];
	[tilespmem:$0x1FDD0] =	vst v17  }
0x3e: {  	s10 =	simm.s32 $0x6;
	v18 =	vbroadcast v10, $0x0;
	v17 =	vbroadcast v7, $0x0;
	v7 =	vld [tilespmem:s29+$0xFFFFFFC0];
	v6 =	vadd.f32 v6, v36  }
0x3f: {  	v28 =	vmovc v9;
	v9 =	vmov s10;
	v3 =	vshrl.u32 v3, $0x3;
	v5 =	vshll.u32 v5, v1;
	v33 =	vld [tilespmem:s24+$0xE830]  }
0x40: {  	v9 =	vshrl.u32 v9, $0x3;
	v38 =	vadd.s32 v14, v18;
	v10 =	vld [tilespmem:s29+$0xC0];
	[tilespmem:v8+s17+$0x0] =	vst.idx.msk $0xffff, v6;
	v6 =	vadd.f32 v11, v36  }
0x41: {  	s1 =	simm.s32 $0x0;
	v3 =	vshll.u32 v3, v1;
	v56 =	vbroadcast v5, $0x0;
	v39 =	vadd.s32 v30, v17;
	v8 =	vld [tilespmem:s29+$0x40];
	[tilespmem:$0x1FDE0] =	vst v17  }
0x42: {  	v0 =	vmov s1;
	v3 =	vbroadcast v3, $0x0;
	[tilespmem:v12+s17+$0x0] =	vst.idx.msk $0xffff, v6;
	v6 =	vshll.u32 v9, v1  }
0x43: {  	v5 =	vadd.f32 v7, v36;
	v40 =	vld [tilespmem:s29+$0x10];
	v45 =	vbroadcast v6, $0x0;
	v6 =	vadd.s32 v26, v56  }
0x44: {  	v0 =	vshrl.u32 v0, $0x3;
	v13 =	vadd.f32 v13, v36;
	v7 =	vld [tilespmem:s29+$0x80]  }
0x45: {  	v0 =	vshll.u32 v0, v1;
	v62 =	vadd.s32 v51, v3;
	v42 =	vld [tilespmem:s29+$0xFFFFFF00];
	[tilespmem:v38+s17+$0x0] =	vst.idx.msk $0xffff, v5  }
0x46: {  	v46 =	vbroadcast v0, $0x0;
	v0 =	vadd.s32 v16, v18;
	[tilespmem:v39+s17+$0x0] =	vst.idx.msk $0xffff, v13;
	v12 =	vld [tilespmem:s29+$0xFFFFFF90];
	v5 =	vadd.f32 v8, v36  }
0x47: {  	v9 =	vadd.f32 v10, v36;
	v8 =	vld [tilespmem:s29+$0xFFFFFFD0];
	[tilespmem:$0x1FDC0] =	vst v0  }
0x48: {  	v13 =	vadd.s32 v20, v46;
	v0 =	vadd.s32 v25, v2;
	[tilespmem:v6+s17+$0x0] =	vst.idx.msk $0xffff, v5  }
0x49: {  	v37 =	vadd.s32 v23, v4;
	v4 =	vadd.s32 v21, v4;
	v39 =	vld [tilespmem:s29+$0xFFFFFF50];
	[tilespmem:$0x1FDF0] =	vst v0  }
0x4a: {  	v44 =	vadd.s32 v15, v18;
	v0 =	vadd.s32 v24, v2;
	[tilespmem:v62+s17+$0x0] =	vst.idx.msk $0xffff, v9  }
0x4b: {  	v48 =	vadd.s32 v53, v3;
	v50 =	vadd.s32 v29, v2;
	v42 =	vadd.f32 v42, v36;
	v6 =	vld [tilespmem:s29+$0x50];
	[tilespmem:$0x1FDB0] =	vst v0  }
0x4c: {  	s26 =	simm.s32 $0xC;
	v15 =	vadd.s32 v55, v3;
	v54 =	vadd.s32 v54, v46;
	v47 =	vadd.s32 v27, v45;
	v9 =	vld [tilespmem:s29+$0xD0]  }
0x4d: {  	s14 =	simm.s32 $0x8;
	v63 =	vmov s26;
	v29 =	vmovc v14;
	v49 =	vadd.s32 v41, v17;
	v10 =	vadd.s32 v59, v17;
	v14 =	vld [tilespmem:$0x1FE30];
	[tilespmem:v13+s17+$0x0] =	vst.idx.msk $0xffff, v42  }
0x4e: {  	v32 =	vmovc v41;
	s9 =	simm.s32 $0xA;
	v41 =	vmov s14;
	v5 =	vadd.f32 v8, v35;
	v8 =	vadd.f32 v39, v35;
	v39 =	vld [tilespmem:s29+$0xFFFFFF10]  }
0x4f: {  	v17 =	vmovc v59;
	v59 =	vmov s9;
	v38 =	vadd.s32 v52, v45;
	v7 =	vadd.f32 v7, v36  }
0x50: {  	v11 =	vmovc v52;
	v13 =	vadd.s32 v57, v46;
	v57 =	vadd.s32 v58, v56;
	v58 =	vshrl.u32 v63, $0x3  }
0x51: {  	v59 =	vshrl.u32 v59, $0x3;
	[tilespmem:v47+s17+$0x0] =	vst.idx.msk $0xffff, v7;
	v58 =	vshll.u32 v58, v1;
	v9 =	vadd.f32 v9, v35  }
0x52: {  	s25 =	simm.s32 $0xF;
	v12 =	vadd.f32 v12, v35;
	[tilespmem:v10+s17+$0x0] =	vst.idx.msk $0xffff, v8;
	v10 =	vshll.u32 v59, v1;
	v52 =	vbroadcast v58, $0x0;
	v58 =	vld [tilespmem:s29+$0x90]  }
0x53: {  	s10 =	simm.s32 $0xD;
	v42 =	vmov s25;
	s25 =	simm.s32 $0x6700;
	v10 =	vbroadcast v10, $0x0;
	v59 =	vld [tilespmem:s29+$0xFFFFFF60];
	[tilespmem:v48+s17+$0x0] =	vst.idx.msk $0xffff, v9;
	v9 =	vadd.f32 v39, v35  }
0x54: {  	s14 =	simm.s32 $0xB;
	v16 =	vadd.s32 v31, v45;
	v43 =	vadd.f32 v40, v35;
	v0 =	vmovc v61;
	v61 =	vmov s10;
	[tilespmem:v4+s17+$0x0] =	vst.idx.msk $0xffff, v12;
	v8 =	vld [tilespmem:s25+$0xFFFFFF80]  }
0x55: {  	v60 =	vld [tilespmem:s25+$0x0];
	v47 =	vshrl.u32 v61, $0x3;
	v12 =	vadd.s32 v0, v10;
	v0 =	vmov s14;
	[tilespmem:v13+s17+$0x0] =	vst.idx.msk $0xffff, v9  }
0x56: {  	s12 =	simm.s32 $0x9;
	[tilespmem:v44+s17+$0x0] =	vst.idx.msk $0xffff, v5;
	v62 =	vshrl.u32 v42, $0x3;
	v6 =	vadd.f32 v6, v35;
	v0 =	vshrl.u32 v0, $0x3;
	v5 =	vld [tilespmem:s29+$0xFFFFFF20]  }
0x57: {  	[tilespmem:v50+s17+$0x0] =	vst.idx.msk $0xffff, v43;
	v39 =	vmov s12;
	v48 =	vadd.s32 v28, v52;
	v61 =	vadd.f32 v58, v35;
	v63 =	vld [tilespmem:s29+$0xE0]  }
0x58: {  	[tilespmem:v57+s17+$0x0] =	vst.idx.msk $0xffff, v6;
	v0 =	vshll.u32 v0, v1;
	v6 =	vadd.f32 v59, v34;
	v4 =	vshrl.u32 v39, $0x3  }
0x59: {  	v2 =	vld [tilespmem:s25+$0xFFFFFF40];
	v43 =	vbroadcast v0, $0x0;
	v0 =	vadd.f32 v8, v36;
	v4 =	vshll.u32 v4, v1;
	[tilespmem:v16+s17+$0x0] =	vst.idx.msk $0xffff, v61  }
0x5a: {  	v9 =	vshll.u32 v47, v1;
	v47 =	vld [tilespmem:s29+$0x20];
	[tilespmem:v49+s17+$0x0] =	vst.idx.msk $0xffff, v6;
	v42 =	vbroadcast v4, $0x0;
	v4 =	vadd.f32 v60, v36  }
0x5b: {  	s26 =	simm.s32 $0xE;
	[tilespmem:v12+s17+$0x0] =	vst.idx.msk $0xffff, v0;
	v5 =	vadd.f32 v5, v34  }
0x5c: {  	v6 =	vmov s26;
	[tilespmem:v48+s17+$0x0] =	vst.idx.msk $0xffff, v4;
	v48 =	vadd.f32 v63, v34  }
0x5d: {  	v40 =	vadd.s32 v14, v3;
	[tilespmem:v54+s17+$0x0] =	vst.idx.msk $0xffff, v5;
	v5 =	vshrl.u32 v6, $0x3  }
0x5e: {  	v3 =	vadd.f32 v2, v36;
	v2 =	vld [tilespmem:$0x1FE00];
	v5 =	vshll.u32 v5, v1;
	[tilespmem:v15+s17+$0x0] =	vst.idx.msk $0xffff, v48  }
0x5f: {  	v6 =	vadd.f32 v47, v34;
	v47 =	vbroadcast v5, $0x0;
	v5 =	vld [tilespmem:$0x1FE50];
	_ =	sdelay $0x1  }
0x60: {  	v62 =	vshll.u32 v62, v1  }
0x61: {  	v60 =	vadd.s32 v30, v42;
	v30 =	vmov v53;
	v53 =	vbroadcast v62, $0x0;
	_ =	sdelay $0x1  }
0x62: {  	v49 =	vadd.s32 v51, v53;
	v51 =	vadd.s32 v5, v46;
	v5 =	vld [tilespmem:$0x1FDB0];
	_ =	sdelay $0x7  }
0x63: {  	[tilespmem:v5+s17+$0x0] =	vst.idx.msk $0xffff, v6  }
0x64: {  	v12 =	vld [tilespmem:$0x1FE90];
	_ =	sdelay $0x3  }
0x65: {  	v4 =	vld [tilespmem:s25+$0xFFFFFFC0]  }
0x66: {  	v48 =	vadd.s32 v12, v43;
	v12 =	vld [tilespmem:$0x1FDC0]  }
0x67: {  	v13 =	vld [tilespmem:s29+$0xFFFFFFE0]  }
0x68: {  	v7 =	vshrl.u32 v41, $0x3;
	v59 =	vadd.s32 v29, v43  }
0x69: {  	v7 =	vshll.u32 v7, v1  }
0x6a: {  	v46 =	vbroadcast v7, $0x0;
	v7 =	vld [tilespmem:$0x1FE20]  }
0x6b: {  	v4 =	vadd.f32 v4, v36  }
0x6c: {  	v13 =	vadd.f32 v13, v34;
	[tilespmem:v60+s17+$0x0] =	vst.idx.msk $0xffff, v3  }
0x6d: {  	[tilespmem:v59+s17+$0x0] =	vst.idx.msk $0xffff, v4  }
0x6e: {  	v8 =	vld [tilespmem:s25+$0xC0];
	[tilespmem:v12+s17+$0x0] =	vst.idx.msk $0xffff, v13  }
0x6f: {  	v7 =	vadd.s32 v7, v45;
	v45 =	vbroadcast v9, $0x0;
	v9 =	vld [tilespmem:$0x1FDD0]  }
0x70: {  	v0 =	vld [tilespmem:s29+$0xFFFFFFA0]  }
0x71: {  	v44 =	vadd.s32 v32, v42;
	v32 =	vld [tilespmem:s25+$0xFFFFFF90]  }
0x72: {  	v16 =	vmov v55;
	v55 =	vadd.s32 v2, v56;
	v2 =	vld [tilespmem:s25+$0x10]  }
0x73: {  	v5 =	vadd.s32 v21, v10;
	v6 =	vld [tilespmem:s29+$0xA0]  }
0x74: {  	v57 =	vld [tilespmem:s25+$0x40]  }
0x75: {  	v61 =	vld [tilespmem:s29+$0x60];
	v0 =	vadd.f32 v0, v34  }
0x76: {  	v62 =	vld [tilespmem:s25+$0xFFFFFF00];
	v4 =	vadd.f32 v32, v35  }
0x77: {  	v8 =	vadd.f32 v8, v36;
	v15 =	vadd.f32 v2, v35;
	v3 =	vld [tilespmem:s29+$0xFFFFFF30];
	[tilespmem:v9+s17+$0x0] =	vst.idx.msk $0xffff, v0  }
0x78: {  	v2 =	vadd.s32 v26, v45;
	v0 =	vld [tilespmem:$0x1FE80];
	[tilespmem:v5+s17+$0x0] =	vst.idx.msk $0xffff, v4;
	v4 =	vadd.f32 v6, v34  }
0x79: {  	v50 =	vadd.s32 v11, v47;
	v11 =	vld [tilespmem:s29+$0xF0];
	[tilespmem:v49+s17+$0x0] =	vst.idx.msk $0xffff, v8  }
0x7a: {  	v41 =	vadd.s32 v19, v10;
	v39 =	vadd.s32 v23, v10;
	v10 =	vld [tilespmem:s25+$0x80];
	[tilespmem:v7+s17+$0x0] =	vst.idx.msk $0xffff, v4  }
0x7b: {  	v57 =	vadd.f32 v57, v36;
	v32 =	vld [tilespmem:$0x1FEC0]  }
0x7c: {  	v6 =	vadd.f32 v61, v34;
	v61 =	vadd.f32 v3, v33;
	v3 =	vld [tilespmem:$0x1FE60]  }
0x7d: {  	v4 =	vld [tilespmem:$0x1FDE0];
	[tilespmem:v2+s17+$0x0] =	vst.idx.msk $0xffff, v57  }
0x7e: {  	v2 =	vld [tilespmem:$0x1FE10];
	[tilespmem:v55+s17+$0x0] =	vst.idx.msk $0xffff, v6  }
0x7f: {  	v6 =	vld [tilespmem:$0x1FDF0]  }
0x80: {  	v13 =	vld [tilespmem:s29+$0x30]  }
0x81: {  	v54 =	vadd.s32 v17, v42;
	v17 =	vadd.s32 v20, v46;
	_ =	sdelay $0x1  }
0x82: {  	v9 =	vadd.f32 v62, v36;
	v62 =	vadd.s32 v3, v4;
	v3 =	vld [tilespmem:s29+$0xFFFFFFF0]  }
0x83: {  	v63 =	vadd.f32 v10, v36;
	v10 =	vld [tilespmem:s25+$0xFFFFFF50]  }
0x84: {  	v12 =	vld [tilespmem:s29+$0xFFFFFF70];
	v57 =	vadd.s32 v2, v56;
	v2 =	vadd.f32 v11, v33;
	v11 =	vadd.f32 v13, v33  }
0x85: {  	v5 =	vld [tilespmem:s25+$0xFFFFFFD0];
	[tilespmem:v17+s17+$0x0] =	vst.idx.msk $0xffff, v9  }
0x86: {  	v49 =	vadd.s32 v25, v52;
	v25 =	vld [tilespmem:s29+$0xFFFFFFB0];
	[tilespmem:v6+s17+$0x0] =	vst.idx.msk $0xffff, v11  }
0x87: {  	v58 =	vadd.s32 v32, v52;
	v9 =	vadd.f32 v3, v33;
	v3 =	vld [tilespmem:$0x1FE40]  }
0x88: {  	v60 =	vadd.s32 v30, v53;
	v8 =	vld [tilespmem:s25+$0xD0];
	v55 =	vadd.s32 v14, v53  }
0x89: {  	v28 =	vmovc v26;
	v7 =	vld [tilespmem:s25+$0x50];
	v53 =	vadd.s32 v16, v53;
	v59 =	vadd.s32 v0, v43;
	v0 =	vadd.s32 v27, v47  }
0x8a: {  	v29 =	vmovc v24;
	v5 =	vadd.f32 v5, v35;
	v4 =	vadd.s32 v22, v18;
	v13 =	vadd.f32 v12, v33;
	v56 =	vld [tilespmem:s29+$0xB0]  }
0x8b: {  	s28 =	sshll.u32 s23, $0xA;
	s30 =	simm.s32 $0x10;
	v30 =	vmovc v31;
	v52 =	vadd.s32 v24, v52;
	v12 =	vadd.f32 v10, v35;
	v10 =	vld [tilespmem:s25+$0xFFFFFF10];
	v6 =	vadd.f32 v25, v33  }
0x8c: {  	s31 =	simm.s32 $0x6900;
	s26 =	sshll.u32 s23, $0x1;
	v11 =	vld [tilespmem:s29+$0x70];
	s29 =	sshrl.u32 s23, $0x1;
	v25 =	vmov v27;
	[tilespmem:v58+s17+$0x0] =	vst.idx.msk $0xffff, v15;
	v58 =	vadd.s32 v31, v47;
	v3 =	vadd.s32 v3, v46  }
.LBB2_3:
0x8d: {  	v14 =	vld [tilespmem:s31+$0x0]  }
0x8e: {  	v15 =	vld [tilespmem:$0x1FF60]  }
0x8f: {  	v16 =	vld [tilespmem:$0x1FFC0];
	[tilespmem:v0+s17+$0x0] =	vst.idx.msk $0xffff, v63  }
0x90: {  	v22 =	vld [tilespmem:$0x1FF80];
	[tilespmem:v62+s17+$0x0] =	vst.idx.msk $0xffff, v13  }
0x91: {  	s1 =	smov.u32 s30;
	v62 =	vld [tilespmem:s31+$0xFFFFFF00];
	[tilespmem:v59+s17+$0x0] =	vst.idx.msk $0xffff, v5  }
0x92: {  	s9 =	sadd.s32 $0x4, s1;
	v63 =	vld [tilespmem:s25+$0x90];
	[tilespmem:v54+s17+$0x0] =	vst.idx.msk $0xffff, v12  }
0x93: {  	v12 =	vld [tilespmem:s31+$0xFFFFFF80];
	v54 =	vmov s9;
	[tilespmem:v4+s17+$0x0] =	vst.idx.msk $0xffff, v9  }
0x94: {  	s0 =	sadd.s32 $0x7, s30;
	v13 =	vmov s1;
	[tilespmem:v37+s17+$0x0] =	vst.idx.msk $0xffff, v6;
	v54 =	vshrl.u32 v54, $0x3;
	v5 =	vadd.f32 v11, v33;
	v6 =	vld [tilespmem:s31+$0xFFFFFF40]  }
0x95: {  	v17 =	vmov s0;
	s14 =	sadd.s32 $0x2, s1;
	[tilespmem:v51+s17+$0x0] =	vst.idx.msk $0xffff, v61;
	v4 =	vadd.f32 v56, v33;
	v59 =	vld [tilespmem:s31+$0xFFFFFFC0];
	v11 =	vshll.u32 v54, v1  }
0x96: {  	s10 =	sadd.s32 $0x5, s1;
	v0 =	vadd.f32 v8, v35;
	v8 =	vmov s14;
	v56 =	vbroadcast v11, $0x0;
	v11 =	vld [tilespmem:s25+$0xFFFFFF60];
	[tilespmem:v57+s17+$0x0] =	vst.idx.msk $0xffff, v5  }
0x97: {  	s0 =	sadd.s32 $0x1, s1;
	v18 =	vmov s10;
	v10 =	vadd.f32 v10, v35;
	v8 =	vshrl.u32 v8, $0x3;
	[tilespmem:v38+s17+$0x0] =	vst.idx.msk $0xffff, v4;
	v4 =	vld [tilespmem:$0x1FF70]  }
0x98: {  	v9 =	vshrl.u32 v13, $0x3;
	v13 =	vmov s0;
	v57 =	vld [tilespmem:s25+$0x20];
	v8 =	vshll.u32 v8, v1;
	[tilespmem:v60+s17+$0x0] =	vst.idx.msk $0xffff, v0  }
0x99: {  	v16 =	vadd.s32 v16, v45;
	[tilespmem:v3+s17+$0x0] =	vst.idx.msk $0xffff, v10;
	v0 =	vbroadcast v8, $0x0;
	v8 =	vshrl.u32 v18, $0x3;
	v18 =	vld [tilespmem:$0x1FEB0]  }
0x9a: {  	[tilespmem:v40+s17+$0x0] =	vst.idx.msk $0xffff, v2;
	v2 =	vshrl.u32 v13, $0x3;
	v13 =	vld [tilespmem:$0x1FFF0]  }
0x9b: {  	v10 =	vld [tilespmem:s25+$0xFFFFFF20];
	v2 =	vshll.u32 v2, v1  }
0x9c: {  	v7 =	vadd.f32 v7, v35;
	v3 =	vadd.f32 v14, v36;
	v14 =	vld [tilespmem:s25+$0xFFFFFFE0];
	v2 =	vbroadcast v2, $0x0  }
0x9d: {  	v15 =	vadd.s32 v15, v46;
	v54 =	vadd.f32 v63, v35;
	v60 =	vld [tilespmem:s25+$0xE0]  }
0x9e: {  	s12 =	sadd.s32 $0x6, s1;
	s1 =	sadd.s32 $0x3, s1;
	[tilespmem:v16+s17+$0x0] =	vst.idx.msk $0xffff, v7;
	v7 =	vld [tilespmem:$0x1FE70];
	v4 =	vadd.s32 v4, v2  }
0x9f: {  	v61 =	vmov s1;
	[tilespmem:v58+s17+$0x0] =	vst.idx.msk $0xffff, v54;
	v11 =	vadd.f32 v11, v34;
	v16 =	vld [tilespmem:s31+$0x40];
	v18 =	vadd.s32 v18, v56  }
0xa0: {  	v38 =	vmovc v50;
	v50 =	vadd.s32 v22, v2;
	v22 =	vld [tilespmem:$0x1FF30];
	v13 =	vadd.s32 v13, v0;
	v10 =	vadd.f32 v10, v34  }
0xa1: {  	v5 =	vshll.u32 v9, v1;
	v9 =	vshrl.u32 v61, $0x3;
	v6 =	vadd.f32 v6, v36;
	v61 =	vld [tilespmem:s25+$0x60];
	[tilespmem:v44+s17+$0x0] =	vst.idx.msk $0xffff, v11  }
0xa2: {  	[tilespmem:v15+s17+$0x0] =	vst.idx.msk $0xffff, v10;
	v10 =	vld [tilespmem:s25+$0xFFFFFF70]  }
0xa3: {  	v17 =	vshrl.u32 v17, $0x3;
	v12 =	vadd.f32 v12, v36;
	[tilespmem:v4+s17+$0x0] =	vst.idx.msk $0xffff, v6;
	v4 =	vld [tilespmem:$0x1FF40]  }
0xa4: {  	[tilespmem:v18+s17+$0x0] =	vst.idx.msk $0xffff, v3;
	v3 =	vshll.u32 v17, v1;
	v17 =	vld [tilespmem:s31+$0xC0]  }
0xa5: {  	[tilespmem:v13+s17+$0x0] =	vst.idx.msk $0xffff, v12;
	v18 =	vbroadcast v3, $0x0;
	v3 =	vadd.f32 v60, v34;
	v58 =	vld [tilespmem:s31+$0x10]  }
0xa6: {  	v13 =	vld [tilespmem:s25+$0xFFFFFFA0]  }
0xa7: {  	[tilespmem:v53+s17+$0x0] =	vst.idx.msk $0xffff, v3;
	v3 =	vld [tilespmem:$0x1FFE0]  }
0xa8: {  	v40 =	vmovc v55;
	v11 =	vadd.f32 v14, v34;
	v14 =	vadd.f32 v57, v34;
	v55 =	vadd.s32 v22, v18;
	v22 =	vld [tilespmem:$0x1FE50]  }
0xa9: {  	v51 =	vmov s12;
	v60 =	vld [tilespmem:s31+$0x80]  }
0xaa: {  	v26 =	vmov v19;
	v51 =	vshrl.u32 v51, $0x3;
	[tilespmem:v52+s17+$0x0] =	vst.idx.msk $0xffff, v14;
	v14 =	vld [tilespmem:s31+$0xFFFFFF90]  }
0xab: {  	v37 =	vmovc v39;
	v19 =	vadd.s32 v19, v0;
	v39 =	vadd.s32 v23, v0;
	v52 =	vadd.s32 v21, v0;
	v0 =	vld [tilespmem:$0x1FE90]  }
0xac: {  	v63 =	vshll.u32 v51, v1;
	v54 =	vadd.s32 v3, v2;
	v3 =	vadd.f32 v16, v36;
	v16 =	vld [tilespmem:s25+$0xFFFFFF30]  }
0xad: {  	v6 =	vadd.f32 v13, v34;
	v51 =	vadd.s32 v22, v46;
	v46 =	vbroadcast v5, $0x0;
	v5 =	vld [tilespmem:$0x1FE20]  }
0xae: {  	v9 =	vshll.u32 v9, v1;
	v22 =	vld [tilespmem:$0x1FF20]  }
0xaf: {  	v9 =	vbroadcast v9, $0x0;
	v8 =	vshll.u32 v8, v1;
	[tilespmem:v41+s17+$0x0] =	vst.idx.msk $0xffff, v6;
	v6 =	vld [tilespmem:$0x1FE60]  }
0xb0: {  	v27 =	vmovc v21;
	v31 =	vmov v23;
	v8 =	vbroadcast v8, $0x0;
	v23 =	vld [tilespmem:$0x1FEE0];
	v57 =	vadd.f32 v59, v36  }
0xb1: {  	v15 =	vld [tilespmem:$0x1FE00];
	[tilespmem:v48+s17+$0x0] =	vst.idx.msk $0xffff, v11;
	v7 =	vadd.s32 v7, v9;
	v12 =	vbroadcast v63, $0x0;
	v21 =	vadd.f32 v61, v34  }
0xb2: {  	v44 =	vmovc v50;
	v11 =	vld [tilespmem:s25+$0x30];
	v0 =	vadd.s32 v0, v9;
	v63 =	vadd.f32 v60, v36;
	v60 =	vadd.s32 v4, v18  }
0xb3: {  	v4 =	vld [tilespmem:s25+$0xF0];
	v5 =	vadd.s32 v5, v47;
	v50 =	vadd.s32 v22, v12;
	v47 =	vmovc v12;
	v12 =	vadd.s32 v28, v8  }
0xb4: {  	v61 =	vadd.f32 v16, v33;
	v16 =	vadd.f32 v62, v36;
	v62 =	vadd.s32 v6, v42;
	v42 =	vmovc v2;
	v2 =	vld [tilespmem:$0x1FE10]  }
0xb5: {  	v48 =	vmov v0;
	v0 =	vld [tilespmem:$0x1FE80]  }
0xb6: {  	v24 =	vmov v20;
	[tilespmem:v7+s17+$0x0] =	vst.idx.msk $0xffff, v57;
	v53 =	vadd.s32 v20, v46;
	v20 =	vadd.f32 v58, v35;
	v58 =	vld [tilespmem:s25+$0xA0]  }
0xb7: {  	v6 =	vld [tilespmem:s25+$0xFFFFFFF0]  }
0xb8: {  	v7 =	vadd.f32 v14, v35;
	v14 =	vadd.s32 v32, v56;
	[tilespmem:v12+s17+$0x0] =	vst.idx.msk $0xffff, v3;
	v3 =	vld [tilespmem:$0x1FE30]  }
0xb9: {  	v17 =	vadd.f32 v17, v36;
	v57 =	vadd.s32 v2, v45;
	v2 =	vadd.f32 v4, v33;
	v4 =	vld [tilespmem:$0x1FEA0]  }
0xba: {  	v13 =	vld [tilespmem:s31+$0xFFFFFFD0];
	v11 =	vadd.f32 v11, v33;
	[tilespmem:v52+s17+$0x0] =	vst.idx.msk $0xffff, v7  }
0xbb: {  	[tilespmem:v55+s17+$0x0] =	vst.idx.msk $0xffff, v17;
	v17 =	vld [tilespmem:s25+$0xFFFFFFB0]  }
0xbc: {  	v23 =	vadd.s32 v23, v56;
	v15 =	vadd.s32 v15, v45;
	[tilespmem:v49+s17+$0x0] =	vst.idx.msk $0xffff, v11;
	v22 =	vld [tilespmem:s31+$0xFFFFFF50]  }
0xbd: {  	v59 =	vadd.s32 v0, v9;
	[tilespmem:v14+s17+$0x0] =	vst.idx.msk $0xffff, v20;
	v55 =	vadd.s32 v3, v18;
	v3 =	vld [tilespmem:$0x1FE40]  }
0xbe: {  	p1 =	slt.u32 s30, $0x78;
	v7 =	vadd.f32 v58, v34;
	v4 =	vadd.s32 v4, v43;
	v43 =	vmovc v9;
	v9 =	vadd.f32 v6, v33;
	v6 =	vld [tilespmem:$0x1FF50]  }
.Ltmp0:
0xbf: {  	[tilespmem:v53+s17+$0x0] =	vst.idx.msk $0xffff, v16;
	v45 =	vmov v8;
	v8 =	vld [tilespmem:s31+$0xD0];
	(pc) =	sbr.rel @p1 .LBB2_3-.Ltmp0, $4  }
0xc0: {  	v41 =	vmovc v19;
	v19 =	vmov v26;
	v52 =	vadd.s32 v29, v56;
	v49 =	vmov v23;
	[tilespmem:v5+s17+$0x0] =	vst.idx.msk $0xffff, v7;
	v7 =	vld [tilespmem:s31+$0x50]  }
0xc1: {  	v23 =	vmov v31;
	v0 =	vadd.s32 v25, v47;
	v5 =	vadd.f32 v13, v35;
	[tilespmem:v15+s17+$0x0] =	vst.idx.msk $0xffff, v21;
	v56 =	vld [tilespmem:s25+$0xB0]  }
0xc2: {  	v20 =	vmovc v24;
	v58 =	vadd.s32 v30, v47;
	v13 =	vadd.f32 v10, v33;
	v12 =	vadd.f32 v22, v35;
	v11 =	vld [tilespmem:s25+$0x70];
	s25 =	smov.u32 s31  }
0xc3: {  	s30 =	sadd.s32 $0x8, s30;
	v21 =	vmovc v27;
	s31 =	sadd.s32 $0x200, s31;
	v10 =	vld [tilespmem:s25+$0xFFFFFF10];
	v3 =	vadd.s32 v3, v46;
	v53 =	vadd.s32 v6, v18;
	v6 =	vadd.f32 v17, v33  }
0xc4: {  	_ = 	snop  }
0xc5: {  	v16 =	vld [tilespmem:$0x1FF80]  }
0xc6: {  	v18 =	vld [tilespmem:$0x1FFE0]  }
0xc7: {  	v15 =	vld [tilespmem:$0x1FF70]  }
0xc8: {  	v14 =	vld [tilespmem:$0x1FFF0];
	[tilespmem:v62+s17+$0x0] =	vst.idx.msk $0xffff, v13  }
0xc9: {  	[tilespmem:v54+s17+$0x0] =	vst.idx.msk $0xffff, v12  }
0xca: {  	[tilespmem:v0+s17+$0x0] =	vst.idx.msk $0xffff, v63  }
0xcb: {  	[tilespmem:v59+s17+$0x0] =	vst.idx.msk $0xffff, v5  }
0xcc: {  	v0 =	vadd.f32 v8, v35;
	[tilespmem:v4+s17+$0x0] =	vst.idx.msk $0xffff, v9  }
0xcd: {  	[tilespmem:v51+s17+$0x0] =	vst.idx.msk $0xffff, v61  }
0xce: {  	v63 =	vld [tilespmem:s25+$0xFFFFFF60];
	[tilespmem:v60+s17+$0x0] =	vst.idx.msk $0xffff, v0  }
0xcf: {  	v28 =	vld [tilespmem:$0x1FFC0]  }
0xd0: {  	v0 =	vld [tilespmem:s25+$0x90];
	v32 =	vadd.f32 v56, v33;
	[tilespmem:v40+s17+$0x0] =	vst.idx.msk $0xffff, v2  }
0xd1: {  	v2 =	vld [tilespmem:s25+$0x20];
	v62 =	vadd.f32 v11, v33;
	[tilespmem:v37+s17+$0x0] =	vst.idx.msk $0xffff, v6  }
0xd2: {  	v61 =	vadd.f32 v10, v35;
	[tilespmem:v38+s17+$0x0] =	vst.idx.msk $0xffff, v32  }
0xd3: {  	v51 =	vld [tilespmem:s25+$0xFFFFFFA0];
	[tilespmem:v57+s17+$0x0] =	vst.idx.msk $0xffff, v62  }
0xd4: {  	v40 =	vld [tilespmem:s25+$0xE0];
	[tilespmem:v3+s17+$0x0] =	vst.idx.msk $0xffff, v61;
	v54 =	vadd.f32 v63, v34;
	v60 =	vadd.s32 v28, v45  }
0xd5: {  	v0 =	vadd.f32 v0, v35;
	v12 =	vld [tilespmem:$0x1FE50]  }
0xd6: {  	v6 =	vld [tilespmem:$0x1FF60];
	v2 =	vadd.f32 v2, v34;
	[tilespmem:v44+s17+$0x0] =	vst.idx.msk $0xffff, v54  }
0xd7: {  	v36 =	vadd.f32 v7, v35;
	v3 =	vld [tilespmem:s25+$0xFFFFFFE0];
	[tilespmem:v58+s17+$0x0] =	vst.idx.msk $0xffff, v0  }
0xd8: {  	v37 =	vld [tilespmem:s25+$0xFFFFFF20];
	[tilespmem:v52+s17+$0x0] =	vst.idx.msk $0xffff, v2  }
0xd9: {  	v2 =	vld [tilespmem:s25+$0xA0];
	[tilespmem:v60+s17+$0x0] =	vst.idx.msk $0xffff, v36  }
0xda: {  	v5 =	vld [tilespmem:$0x1FE00]  }
0xdb: {  	v22 =	vmov v6;
	v6 =	vadd.s32 v6, v46;
	v59 =	vld [tilespmem:$0x1FE20]  }
0xdc: {  	v0 =	vadd.f32 v3, v34;
	v57 =	vld [tilespmem:s25+$0x30]  }
0xdd: {  	v8 =	vadd.f32 v40, v34;
	v56 =	vld [tilespmem:s25+$0x60]  }
0xde: {  	v3 =	vadd.f32 v37, v34;
	[tilespmem:v48+s17+$0x0] =	vst.idx.msk $0xffff, v0  }
0xdf: {  	v0 =	vadd.f32 v51, v34;
	[tilespmem:v53+s17+$0x0] =	vst.idx.msk $0xffff, v8;
	v5 =	vadd.s32 v5, v45  }
0xe0: {  	v58 =	vld [tilespmem:s25+$0xFFFFFF70];
	[tilespmem:v6+s17+$0x0] =	vst.idx.msk $0xffff, v3;
	v11 =	vadd.s32 v59, v47  }
0xe1: {  	v7 =	vadd.f32 v57, v33;
	v8 =	vld [tilespmem:$0x1FE60];
	[tilespmem:v41+s17+$0x0] =	vst.idx.msk $0xffff, v0  }
0xe2: {  	v0 =	vadd.f32 v2, v34;
	v61 =	vadd.f32 v56, v34;
	v2 =	vld [tilespmem:$0x1FEA0]  }
0xe3: {  	v60 =	vld [tilespmem:s25+$0xFFFFFF30];
	[tilespmem:v49+s17+$0x0] =	vst.idx.msk $0xffff, v7  }
0xe4: {  	v62 =	vld [tilespmem:s25+$0xF0];
	[tilespmem:v5+s17+$0x0] =	vst.idx.msk $0xffff, v61  }
0xe5: {  	v12 =	vadd.s32 v12, v46;
	v3 =	vld [tilespmem:s25+$0xFFFFFFF0];
	[tilespmem:v11+s17+$0x0] =	vst.idx.msk $0xffff, v0  }
0xe6: {  	v8 =	vadd.s32 v8, v42;
	v7 =	vld [tilespmem:$0x1FE10]  }
0xe7: {  	v13 =	vld [tilespmem:s25+$0xFFFFFFB0];
	v2 =	vadd.s32 v2, v43  }
0xe8: {  	v4 =	vadd.f32 v60, v33;
	v63 =	vld [tilespmem:s25+$0xB0]  }
0xe9: {  	v0 =	vadd.f32 v58, v33;
	v5 =	vld [tilespmem:s25+$0x70]  }
0xea: {  	v3 =	vadd.f32 v3, v33;
	[tilespmem:v12+s17+$0x0] =	vst.idx.msk $0xffff, v4  }
0xeb: {  	[tilespmem:v8+s17+$0x0] =	vst.idx.msk $0xffff, v0;
	v0 =	vadd.f32 v62, v33;
	v7 =	vadd.s32 v7, v45  }
0xec: {  	[tilespmem:v2+s17+$0x0] =	vst.idx.msk $0xffff, v3;
	v2 =	vadd.f32 v13, v33  }
0xed: {  	s0 =	sand.u32 $0x2, s26;
	[tilespmem:v55+s17+$0x0] =	vst.idx.msk $0xffff, v0;
	v0 =	vadd.f32 v63, v33  }
0xee: {  	s1 =	sshll.u32 s29, $0x11;
	s0 =	sor.u32 s7, s0;
	v3 =	vadd.f32 v5, v33;
	[tilespmem:v39+s17+$0x0] =	vst.idx.msk $0xffff, v2  }
0xef: {  	s0 =	sshll.u32 s0, $0x7;
	s25 =	sadd.s32 s2, s1;
	[tilespmem:v50+s17+$0x0] =	vst.idx.msk $0xffff, v0  }
0xf0: {  	s14 =	simm.s32 $0xA400;
	s9 =	sadd.s32 s0, s25;
	[tilespmem:v7+s17+$0x0] =	vst.idx.msk $0xffff, v3  }
0xf1: {  	[hbm4b:s9+s3] =	stream.linear.scatter [tilespmem:s14], [sflag:$0x3], $0x80, $0x38;
	[tilespmem:$0xF800] =	vst v63  }
0xf2: {  	s1 =	simm.s32 $0xA488;
	s10 =	sadd.s32 $0x10, s9  }
0xf3: {  	[hbm4b:s10+s3] =	stream.linear.scatter [tilespmem:s1], [sflag:$0x3], $0x80, $0x38;
	[tilespmem:$0xF800] =	vst v63  }
0xf4: {  	s12 =	simm.s32 $0xA510;
	s29 =	simm.s32 $0x440;
	s14 =	sadd.s32 $0x20, s9  }
0xf5: {  	[hbm4b:s14+s3] =	stream.linear.scatter [tilespmem:s12], [sflag:$0x3], $0x80, $0x38;
	[tilespmem:$0xF800] =	vst v63  }
0xf6: {  	s31 =	simm.s32 $0x2200;
	s1 =	simm.s32 $0xA598;
	s10 =	sadd.s32 $0x30, s9  }
0xf7: {  	[hbm4b:s10+s3] =	stream.linear.scatter [tilespmem:s1], [sflag:$0x3], $0x80, $0x38;
	[tilespmem:$0xF800] =	vst v63  }
0xf8: {  	s0 =	sadd.s32 $0x70, s9;
	s12 =	simm.s32 $0xA620;
	s14 =	sadd.s32 $0x40, s9  }
0xf9: {  	[hbm4b:s14+s3] =	stream.linear.scatter [tilespmem:s12], [sflag:$0x3], $0x80, $0x38;
	[tilespmem:$0xF800] =	vst v63  }
0xfa: {  	s30 =	sadd.s32 $0x4000, s9;
	s1 =	simm.s32 $0xA6A8;
	s10 =	sadd.s32 $0x50, s9  }
0xfb: {  	[hbm4b:s10+s3] =	stream.linear.scatter [tilespmem:s1], [sflag:$0x3], $0x80, $0x38;
	[tilespmem:$0xF800] =	vst v63  }
0xfc: {  	s12 =	simm.s32 $0xA730;
	s14 =	sadd.s32 $0x60, s9;
	s1 =	simm.s32 $0xA7B8  }
0xfd: {  	v39 =	vmov v28;
	[hbm4b:s14+s3] =	stream.linear.scatter [tilespmem:s12], [sflag:$0x3], $0x80, $0x38;
	[tilespmem:$0xF800] =	vst v63  }
.LBB2_5:
0xfe: {  	[hbm4b:s0+s3] =	stream.linear.scatter [tilespmem:s1], [sflag:$0x3], $0x80, $0x38;
	[tilespmem:$0xF800] =	vst v63  }
0xff: {  	s0 =	smov.u32 s29;
	s1 =	smov.u32 s31  }
0x100: {  	s9 =	sadd.s32 $0x1100, s31;
	s29 =	sshra.s32 s1, $0x2;
	s1 =	sadd.s32 $0xA400, s0  }
0x101: {  	[hbm4b:s30+s3] =	stream.linear.scatter [tilespmem:s1], [sflag:$0x3], $0x80, $0x38;
	[tilespmem:$0xF800] =	vst v63  }
0x102: {  	p1 =	sne.s32 s31, $0x7700;
	s10 =	sadd.s32 $0x10, s30;
	s1 =	sadd.s32 $0xA488, s0  }
0x103: {  	[hbm4b:s10+s3] =	stream.linear.scatter [tilespmem:s1], [sflag:$0x3], $0x80, $0x38;
	[tilespmem:$0xF800] =	vst v63  }
0x104: {  	s1 =	sadd.s32 $0xA510, s0;
	s10 =	sadd.s32 $0x20, s30  }
0x105: {  	[hbm4b:s10+s3] =	stream.linear.scatter [tilespmem:s1], [sflag:$0x3], $0x80, $0x38;
	[tilespmem:$0xF800] =	vst v63  }
0x106: {  	s1 =	sadd.s32 $0xA598, s0;
	s10 =	sadd.s32 $0x30, s30  }
0x107: {  	[hbm4b:s10+s3] =	stream.linear.scatter [tilespmem:s1], [sflag:$0x3], $0x80, $0x38;
	[tilespmem:$0xF800] =	vst v63  }
0x108: {  	s1 =	sadd.s32 $0xA620, s0;
	s10 =	sadd.s32 $0x40, s30  }
0x109: {  	[hbm4b:s10+s3] =	stream.linear.scatter [tilespmem:s1], [sflag:$0x3], $0x80, $0x38;
	[tilespmem:$0xF800] =	vst v63  }
.Ltmp1:
0x10a: {  	s1 =	sadd.s32 $0xA6A8, s0;
	s10 =	sadd.s32 $0x50, s30;
	(pc) =	sbr.rel @p1 .LBB2_5-.Ltmp1, $4  }
0x10b: {  	[hbm4b:s10+s3] =	stream.linear.scatter [tilespmem:s1], [sflag:$0x3], $0x80, $0x38;
	[tilespmem:$0xF800] =	vst v63  }
0x10c: {  	s31 =	smov.u32 s9;
	s1 =	sadd.s32 $0xA730, s0;
	s10 =	sadd.s32 $0x60, s30  }
0x10d: {  	[hbm4b:s10+s3] =	stream.linear.scatter [tilespmem:s1], [sflag:$0x3], $0x80, $0x38;
	[tilespmem:$0xF800] =	vst v63  }
0x10e: {  	s1 =	sadd.s32 $0xA7B8, s0;
	s0 =	sadd.s32 $0x70, s30;
	s30 =	sadd.s32 $0x4000, s30  }
0x10f: {  	[hbm4b:s0+s3] =	stream.linear.scatter [tilespmem:s1], [sflag:$0x3], $0x80, $0x38;
	[tilespmem:$0xF800] =	vst v63  }
0x110: {  	s9 =	sadd.s32 $0xA400, s29  }
0x111: {  	[hbm4b:s30+s3] =	stream.linear.scatter [tilespmem:s9], [sflag:$0x3], $0x80, $0x38;
	[tilespmem:$0xF800] =	vst v63  }
0x112: {  	s10 =	sadd.s32 $0xA488, s29;
	s12 =	sadd.s32 $0x10, s30  }
0x113: {  	[hbm4b:s12+s3] =	stream.linear.scatter [tilespmem:s10], [sflag:$0x3], $0x80, $0x38;
	[tilespmem:$0xF800] =	vst v63  }
0x114: {  	s14 =	sadd.s32 $0xA510, s29;
	s31 =	sadd.s32 $0x20, s30  }
0x115: {  	[hbm4b:s31+s3] =	stream.linear.scatter [tilespmem:s14], [sflag:$0x3], $0x80, $0x38;
	[tilespmem:$0xF800] =	vst v63  }
0x116: {  	s1 =	sadd.s32 $0xA598, s29;
	s9 =	sadd.s32 $0x30, s30  }
0x117: {  	[hbm4b:s9+s3] =	stream.linear.scatter [tilespmem:s1], [sflag:$0x3], $0x80, $0x38;
	[tilespmem:$0xF800] =	vst v63  }
0x118: {  	s26 =	sor.u32 $0x1, s26;
	s10 =	sadd.s32 $0xA620, s29;
	s12 =	sadd.s32 $0x40, s30  }
0x119: {  	[hbm4b:s12+s3] =	stream.linear.scatter [tilespmem:s10], [sflag:$0x3], $0x80, $0x38;
	[tilespmem:$0xF800] =	vst v63  }
0x11a: {  	p1 =	sgt.u32 s26, $0xC6;
	s14 =	sadd.s32 $0xA6A8, s29;
	s31 =	sadd.s32 $0x50, s30  }
0x11b: {  	[hbm4b:s31+s3] =	stream.linear.scatter [tilespmem:s14], [sflag:$0x3], $0x80, $0x38;
	[tilespmem:$0xF800] =	vst v63  }
0x11c: {  	s0 =	sadd.s32 @!p1 $0x400, s28;
	s1 =	sadd.s32 $0xA730, s29;
	s9 =	sadd.s32 $0x60, s30  }
0x11d: {  	[hbm4b:s9+s3] =	stream.linear.scatter [tilespmem:s1], [sflag:$0x3], $0x80, $0x38;
	[tilespmem:$0xF800] =	vst v63  }
0x11e: {  	s0 =	sand.u32 @!p1 $0x3FC00, s0;
	s10 =	sadd.s32 $0xA7B8, s29;
	s12 =	sadd.s32 $0x70, s30  }
0x11f: {  	[hbm4b:s12+s3] =	stream.linear.scatter [tilespmem:s10], [sflag:$0x3], $0x80, $0x38;
	[tilespmem:$0xF800] =	vst v63  }
0x120: {  	s0 =	sshrl.u32 @!p1 s0, $0x2;
	s1 =	simm.s32 @!p1 $0x80;
	s9 =	simm.s32 @!p1 $0x6400  }
0x121: {  	[tilespmem:s9], [sflag:$0x1] =	stream.indirect.gather @!p1 [hbm4b:s4+s1], $0x40, s0, s1, $0xb8;
	[tilespmem:$0xF800] =	vst v63  }
0x122: {  	_ =	swait.ge [sflag:s18], $0x2000  }
0x123: {  	[sflag:s18] =	ssyncset.done $0x0  }
0x124: {  	s0 =	simm.s32 @!p0 $0x4;
	[sflag:s18] =	ssyncadd.s32 $0xFFFFE000  }
0x125: {  	s31 =	simm.s32 $0x2;
	_ =	swait.ge @!p0 [sflag:s0], $0x2000  }
0x126: {  	s30 =	simm.s32 $0x4;
	v4 =	vmov s31;
	[sflag:s0] =	ssyncset.done @!p0 $0x0;
	v47 =	vld [tilespmem:$0x1FEB0]  }
0x127: {  	v2 =	vmov s30;
	s14 =	simm.s32 $0x0;
	v4 =	vshrl.u32 v4, $0x3;
	v54 =	vld [tilespmem:$0x1FE70];
	[sflag:s0] =	ssyncadd.s32 @!p0 $0xFFFFE000  }
0x128: {  	v2 =	vshrl.u32 v2, $0x3;
	v0 =	vmov s14;
	v4 =	vshll.u32 v4, v1;
	s10 =	simm.s32 $0x7;
	v36 =	vld [tilespmem:s24+$0xE800]  }
0x129: {  	s28 =	simm.s32 $0x8500;
	v2 =	vshll.u32 v2, v1;
	s14 =	simm.s32 $0x3;
	v4 =	vbroadcast v4, $0x0;
	v3 =	vmov s10;
	s10 =	simm.s32 $0x1;
	v35 =	vld [tilespmem:s24+$0xE810]  }
0x12a: {  	v2 =	vbroadcast v2, $0x0;
	v10 =	vmov s14;
	v7 =	vmov s10;
	v6 =	vld [tilespmem:s28+$0x0]  }
0x12b: {  	v61 =	vmovc v14;
	v12 =	vadd.s32 v14, v4;
	v14 =	vadd.s32 v19, v4;
	v7 =	vshrl.u32 v7, $0x3;
	v11 =	vld [tilespmem:s28+$0xFFFFFF80]  }
0x12c: {  	v10 =	vshrl.u32 v10, $0x3;
	v7 =	vshll.u32 v7, v1;
	v13 =	vld [tilespmem:s28+$0xFFFFFF40];
	[tilespmem:$0x1FD80] =	vst v14;
	v8 =	vadd.s32 v47, v2  }
0x12d: {  	v10 =	vshll.u32 v10, v1;
	s9 =	simm.s32 $0x5;
	v56 =	vbroadcast v7, $0x0;
	v7 =	vld [tilespmem:s28+$0xFFFFFFC0]  }
0x12e: {  	v25 =	vbroadcast v10, $0x0;
	v5 =	vmov s9;
	v34 =	vld [tilespmem:s24+$0xE820]  }
0x12f: {  	v5 =	vshrl.u32 v5, $0x3;
	v33 =	vld [tilespmem:s24+$0xE830];
	v6 =	vadd.f32 v6, v36  }
0x130: {  	v5 =	vshll.u32 v5, v1;
	v10 =	vld [tilespmem:s28+$0xC0];
	v14 =	vadd.s32 v54, v25  }
0x131: {  	v28 =	vmov v15;
	v15 =	vadd.s32 v15, v56;
	v43 =	vld [tilespmem:s28+$0xFFFFFF00];
	[tilespmem:v8+s19+$0x0] =	vst.idx.msk $0xffff, v6;
	v6 =	vadd.f32 v11, v36  }
0x132: {  	v55 =	vbroadcast v5, $0x0;
	v5 =	vadd.f32 v7, v36;
	v7 =	vld [tilespmem:s28+$0x80]  }
0x133: {  	v57 =	vld [tilespmem:$0x1FF30];
	[tilespmem:v12+s19+$0x0] =	vst.idx.msk $0xffff, v6  }
0x134: {  	v13 =	vadd.f32 v13, v36;
	v59 =	vld [tilespmem:$0x1FEF0]  }
0x135: {  	s12 =	simm.s32 $0x6;
	v8 =	vld [tilespmem:s28+$0x40];
	[tilespmem:v14+s19+$0x0] =	vst.idx.msk $0xffff, v5  }
0x136: {  	v9 =	vmov s12;
	v42 =	vld [tilespmem:s28+$0x10];
	[tilespmem:v15+s19+$0x0] =	vst.idx.msk $0xffff, v13  }
0x137: {  	v9 =	vshrl.u32 v9, $0x3;
	v60 =	vld [tilespmem:$0x1FE90]  }
0x138: {  	v6 =	vshll.u32 v9, v1;
	v12 =	vld [tilespmem:s28+$0xFFFFFF90]  }
0x139: {  	v45 =	vbroadcast v6, $0x0;
	v62 =	vld [tilespmem:$0x1FF20];
	v6 =	vadd.s32 v59, v55  }
0x13a: {  	v0 =	vshrl.u32 v0, $0x3;
	v63 =	vld [tilespmem:$0x1FE80]  }
0x13b: {  	v0 =	vshll.u32 v0, v1;
	v32 =	vld [tilespmem:$0x1FF00]  }
0x13c: {  	v46 =	vbroadcast v0, $0x0;
	v5 =	vadd.f32 v8, v36;
	v8 =	vld [tilespmem:s28+$0xFFFFFFD0];
	[tilespmem:$0x1FD90] =	vst v25;
	v0 =	vadd.s32 v60, v25  }
0x13d: {  	v3 =	vshrl.u32 v3, $0x3;
	v49 =	vld [tilespmem:$0x1FF40];
	[tilespmem:$0x1FD70] =	vst v0  }
0x13e: {  	v3 =	vshll.u32 v3, v1;
	v52 =	vld [tilespmem:$0x1FEC0];
	[tilespmem:v6+s19+$0x0] =	vst.idx.msk $0xffff, v5  }
0x13f: {  	v3 =	vbroadcast v3, $0x0;
	v53 =	vld [tilespmem:$0x1FEE0];
	_ =	sdelay $0x1  }
0x140: {  	v17 =	vadd.s32 v57, v3;
	_ =	sdelay $0x2  }
0x141: {  	v9 =	vadd.f32 v10, v36;
	v0 =	vadd.s32 v53, v2  }
0x142: {  	v14 =	vld [tilespmem:s28+$0xFFFFFF50];
	[tilespmem:$0x1FDA0] =	vst v0  }
0x143: {  	[tilespmem:v17+s19+$0x0] =	vst.idx.msk $0xffff, v9  }
0x144: {  	v0 =	vld [tilespmem:$0x1FE30];
	_ =	sdelay $0x4  }
0x145: {  	v40 =	vadd.s32 v0, v3;
	v0 =	vld [tilespmem:$0x1FED0];
	_ =	sdelay $0x1  }
0x146: {  	v13 =	vadd.s32 v20, v46;
	_ =	sdelay $0x2  }
0x147: {  	v30 =	vmovc v18;
	v10 =	vadd.s32 v18, v56;
	v18 =	vadd.f32 v43, v36;
	v0 =	vadd.s32 v0, v2  }
0x148: {  	v6 =	vld [tilespmem:s28+$0x50];
	[tilespmem:$0x1FD60] =	vst v0  }
0x149: {  	[tilespmem:v13+s19+$0x0] =	vst.idx.msk $0xffff, v18  }
0x14a: {  	v0 =	vld [tilespmem:$0x1FE40]  }
0x14b: {  	s31 =	simm.s32 $0xC  }
0x14c: {  	v41 =	vmov s31  }
0x14d: {  	v41 =	vshrl.u32 v41, $0x3  }
0x14e: {  	v41 =	vshll.u32 v41, v1;
	v9 =	vld [tilespmem:s28+$0xD0]  }
0x14f: {  	v51 =	vmovc v16;
	v58 =	vbroadcast v41, $0x0;
	v37 =	vadd.s32 v23, v4;
	v13 =	vadd.s32 v0, v46;
	v0 =	vld [tilespmem:$0x1FF10]  }
0x150: {  	v50 =	vmovc v19;
	v11 =	vadd.s32 v16, v56;
	v7 =	vadd.f32 v7, v36;
	v19 =	vadd.s32 v32, v45  }
0x151: {  	v16 =	vadd.s32 v63, v25;
	v25 =	vmovc v20;
	v20 =	vadd.s32 v49, v3;
	v17 =	vadd.s32 v22, v46;
	v22 =	vld [tilespmem:s28+$0xFFFFFF10]  }
0x152: {  	v4 =	vadd.s32 v21, v4;
	s24 =	simm.s32 $0x8;
	v5 =	vadd.f32 v8, v35;
	v8 =	vadd.f32 v14, v35  }
0x153: {  	s10 =	simm.s32 $0xA;
	v48 =	vmov s24;
	v15 =	vadd.f32 v42, v35;
	v12 =	vadd.f32 v12, v35  }
0x154: {  	v29 =	vmovc v21;
	v42 =	vmov s10;
	v9 =	vadd.f32 v9, v35;
	v14 =	vadd.s32 v0, v45;
	v0 =	vld [tilespmem:$0x1FF50];
	[tilespmem:v10+s19+$0x0] =	vst.idx.msk $0xffff, v8  }
0x155: {  	s12 =	simm.s32 $0xD;
	s24 =	simm.s32 $0x8700;
	v42 =	vshrl.u32 v42, $0x3;
	v21 =	vadd.s32 v52, v2;
	v18 =	vadd.s32 v39, v55;
	[tilespmem:v19+s19+$0x0] =	vst.idx.msk $0xffff, v7  }
0x156: {  	s14 =	simm.s32 $0x9;
	v44 =	vmov s12;
	v43 =	vld [tilespmem:s24+$0x0];
	v10 =	vshll.u32 v42, v1;
	[tilespmem:v20+s19+$0x0] =	vst.idx.msk $0xffff, v9;
	v9 =	vadd.f32 v22, v35  }
0x157: {  	v7 =	vshrl.u32 v48, $0x3;
	v19 =	vshrl.u32 v44, $0x3;
	v48 =	vmov s14;
	[tilespmem:v4+s19+$0x0] =	vst.idx.msk $0xffff, v12;
	v44 =	vld [tilespmem:s28+$0x90]  }
0x158: {  	s30 =	simm.s32 $0xF;
	v8 =	vld [tilespmem:s24+$0xFFFFFF80];
	v22 =	vadd.s32 v47, v58;
	v10 =	vbroadcast v10, $0x0;
	v4 =	vshrl.u32 v48, $0x3;
	[tilespmem:v13+s19+$0x0] =	vst.idx.msk $0xffff, v9  }
0x159: {  	v6 =	vadd.f32 v6, v35;
	v39 =	vmov s30;
	[tilespmem:v16+s19+$0x0] =	vst.idx.msk $0xffff, v5;
	v4 =	vshll.u32 v4, v1;
	v5 =	vld [tilespmem:s28+$0xFFFFFF20]  }
0x15a: {  	s30 =	simm.s32 $0xB;
	v12 =	vadd.s32 v61, v10;
	v41 =	vadd.s32 v50, v10;
	v3 =	vadd.s32 v0, v3;
	v0 =	vld [tilespmem:s28+$0xFFFFFF60]  }
0x15b: {  	[tilespmem:v21+s19+$0x0] =	vst.idx.msk $0xffff, v15;
	v50 =	vmov s30;
	v42 =	vbroadcast v4, $0x0;
	v4 =	vadd.f32 v43, v36  }
0x15c: {  	[tilespmem:v18+s19+$0x0] =	vst.idx.msk $0xffff, v6;
	v9 =	vshrl.u32 v50, $0x3;
	v50 =	vadd.f32 v44, v35  }
0x15d: {  	[tilespmem:v22+s19+$0x0] =	vst.idx.msk $0xffff, v4;
	v8 =	vadd.f32 v8, v36  }
0x15e: {  	v5 =	vadd.f32 v5, v34;
	[tilespmem:v14+s19+$0x0] =	vst.idx.msk $0xffff, v50  }
0x15f: {  	v47 =	vld [tilespmem:s28+$0xE0];
	[tilespmem:v12+s19+$0x0] =	vst.idx.msk $0xffff, v8;
	v6 =	vadd.f32 v0, v34  }
0x160: {  	[tilespmem:v17+s19+$0x0] =	vst.idx.msk $0xffff, v5  }
0x161: {  	[tilespmem:v11+s19+$0x0] =	vst.idx.msk $0xffff, v6  }
0x162: {  	v0 =	vld [tilespmem:$0x1FE00];
	_ =	sdelay $0x1  }
0x163: {  	v44 =	vadd.s32 v51, v42;
	v51 =	vadd.f32 v47, v34;
	_ =	sdelay $0x1  }
0x164: {  	[tilespmem:v3+s19+$0x0] =	vst.idx.msk $0xffff, v51  }
0x165: {  	v12 =	vadd.s32 v0, v55;
	v0 =	vld [tilespmem:$0x1FE50];
	_ =	sdelay $0x4  }
0x166: {  	v51 =	vadd.s32 v0, v46;
	v0 =	vld [tilespmem:$0x1FD60]  }
0x167: {  	v13 =	vshll.u32 v19, v1;
	v19 =	vld [tilespmem:s28+$0x20];
	_ =	sdelay $0x2  }
0x168: {  	s31 =	simm.s32 $0xE  }
0x169: {  	v6 =	vmov s31  }
0x16a: {  	v5 =	vshrl.u32 v6, $0x3;
	v6 =	vadd.f32 v19, v34  }
0x16b: {  	v48 =	vld [tilespmem:s24+$0xFFFFFF40]  }
0x16c: {  	v9 =	vshll.u32 v9, v1;
	v4 =	vld [tilespmem:s24+$0xFFFFFFC0];
	[tilespmem:v0+s19+$0x0] =	vst.idx.msk $0xffff, v6  }
0x16d: {  	v43 =	vbroadcast v9, $0x0;
	v0 =	vld [tilespmem:$0x1FD70]  }
0x16e: {  	v15 =	vld [tilespmem:s28+$0xFFFFFFE0];
	v16 =	vadd.s32 v28, v42  }
0x16f: {  	v20 =	vshrl.u32 v39, $0x3;
	v39 =	vadd.s32 v23, v10;
	v23 =	vadd.s32 v54, v43  }
0x170: {  	v47 =	vld [tilespmem:s24+$0x40]  }
0x171: {  	v21 =	vadd.f32 v48, v36  }
0x172: {  	v9 =	vld [tilespmem:s24+$0xC0];
	v4 =	vadd.f32 v4, v36  }
0x173: {  	v15 =	vadd.f32 v15, v34;
	v50 =	vld [tilespmem:$0x1FE20];
	[tilespmem:v16+s19+$0x0] =	vst.idx.msk $0xffff, v21  }
0x174: {  	v20 =	vshll.u32 v20, v1;
	v17 =	vld [tilespmem:s24+$0xFFFFFF90];
	v5 =	vshll.u32 v5, v1;
	[tilespmem:v23+s19+$0x0] =	vst.idx.msk $0xffff, v4  }
0x175: {  	v18 =	vbroadcast v20, $0x0;
	v3 =	vadd.f32 v47, v36;
	v47 =	vbroadcast v5, $0x0;
	v5 =	vld [tilespmem:s28+$0xA0];
	[tilespmem:v0+s19+$0x0] =	vst.idx.msk $0xffff, v15  }
0x176: {  	v2 =	vadd.s32 v29, v10;
	v23 =	vld [tilespmem:$0x1FD80]  }
0x177: {  	v7 =	vshll.u32 v7, v1;
	v8 =	vld [tilespmem:s28+$0xFFFFFFA0];
	v11 =	vadd.s32 v57, v18  }
0x178: {  	v46 =	vbroadcast v7, $0x0;
	v7 =	vadd.s32 v50, v45  }
0x179: {  	v4 =	vadd.f32 v17, v35  }
0x17a: {  	v38 =	vadd.s32 v62, v45;
	v9 =	vadd.f32 v9, v36;
	v45 =	vbroadcast v13, $0x0  }
0x17b: {  	[tilespmem:v2+s19+$0x0] =	vst.idx.msk $0xffff, v4;
	v2 =	vadd.f32 v5, v34  }
0x17c: {  	v57 =	vld [tilespmem:s28+$0x60];
	v17 =	vadd.s32 v59, v45;
	v0 =	vadd.f32 v8, v34;
	[tilespmem:v11+s19+$0x0] =	vst.idx.msk $0xffff, v9  }
0x17d: {  	v6 =	vld [tilespmem:s24+$0x80];
	[tilespmem:v7+s19+$0x0] =	vst.idx.msk $0xffff, v2  }
0x17e: {  	[tilespmem:v23+s19+$0x0] =	vst.idx.msk $0xffff, v0  }
0x17f: {  	v2 =	vld [tilespmem:$0x1FE60];
	_ =	sdelay $0x1  }
0x180: {  	[tilespmem:v17+s19+$0x0] =	vst.idx.msk $0xffff, v3  }
0x181: {  	v59 =	vadd.s32 v63, v43;
	v63 =	vadd.f32 v6, v36;
	v6 =	vadd.f32 v57, v34;
	v4 =	vld [tilespmem:$0x1FEA0]  }
0x182: {  	v7 =	vld [tilespmem:$0x1FD90]  }
0x183: {  	v0 =	vadd.s32 v32, v47;
	v32 =	vmov v61;
	v61 =	vadd.s32 v2, v56;
	v2 =	vld [tilespmem:$0x1FE10];
	[tilespmem:v12+s19+$0x0] =	vst.idx.msk $0xffff, v6  }
0x184: {  	v6 =	vld [tilespmem:$0x1FDA0]  }
0x185: {  	v13 =	vld [tilespmem:s28+$0x30];
	_ =	sdelay $0x4  }
0x186: {  	v56 =	vadd.f32 v13, v33;
	_ =	sdelay $0x1  }
0x187: {  	[tilespmem:v6+s19+$0x0] =	vst.idx.msk $0xffff, v56  }
0x188: {  	v6 =	vld [tilespmem:$0x1FE30]  }
0x189: {  	v14 =	vld [tilespmem:s24+$0xFFFFFF00]  }
0x18a: {  	v19 =	vld [tilespmem:s24+$0x10]  }
0x18b: {  	v15 =	vadd.s32 v25, v46;
	v9 =	vld [tilespmem:s24+$0xFFFFFF50]  }
0x18c: {  	v20 =	vadd.s32 v52, v58;
	v3 =	vld [tilespmem:s28+$0xFFFFFFF0]  }
0x18d: {  	v57 =	vadd.s32 v2, v55;
	v55 =	vadd.s32 v6, v18;
	v6 =	vld [tilespmem:$0x1FED0]  }
0x18e: {  	v11 =	vadd.f32 v14, v36  }
0x18f: {  	v16 =	vadd.f32 v19, v35  }
0x190: {  	v10 =	vld [tilespmem:s28+$0xFFFFFF70];
	[tilespmem:v15+s19+$0x0] =	vst.idx.msk $0xffff, v11  }
0x191: {  	v12 =	vadd.f32 v9, v35;
	v9 =	vadd.f32 v3, v33;
	v3 =	vld [tilespmem:$0x1FE40];
	[tilespmem:v20+s19+$0x0] =	vst.idx.msk $0xffff, v16  }
0x192: {  	v28 =	vmov v6;
	v52 =	vadd.s32 v6, v58;
	v6 =	vld [tilespmem:$0x1FF10]  }
0x193: {  	v8 =	vld [tilespmem:s28+$0xFFFFFF30]  }
0x194: {  	v19 =	vld [tilespmem:s28+$0xF0]  }
0x195: {  	v5 =	vld [tilespmem:s24+$0xFFFFFFD0]  }
0x196: {  	v48 =	vadd.s32 v60, v43;
	v14 =	vld [tilespmem:s28+$0xFFFFFFB0]  }
0x197: {  	v60 =	vadd.s32 v49, v18;
	v49 =	vadd.s32 v53, v58;
	v25 =	vmovc v6;
	v58 =	vadd.s32 v6, v47;
	v6 =	vld [tilespmem:$0x1FF50]  }
0x198: {  	v50 =	vadd.s32 v62, v47;
	v62 =	vadd.f32 v8, v33;
	v8 =	vld [tilespmem:s24+$0xD0]  }
0x199: {  	v4 =	vadd.s32 v4, v7;
	v7 =	vld [tilespmem:s24+$0x50]  }
0x19a: {  	v5 =	vadd.f32 v5, v35;
	v56 =	vld [tilespmem:s28+$0xB0]  }
0x19b: {  	v54 =	vadd.s32 v30, v42;
	v13 =	vadd.f32 v10, v33;
	v2 =	vadd.f32 v19, v33;
	v11 =	vld [tilespmem:s28+$0x70];
	v29 =	vmovc v3  }
0x19c: {  	s29 =	simm.s32 $0x8900;
	s28 =	simm.s32 $0x10;
	v10 =	vld [tilespmem:s24+$0xFFFFFF10];
	v3 =	vadd.s32 v3, v46;
	v30 =	vmovc v6;
	v53 =	vadd.s32 v6, v18;
	v6 =	vadd.f32 v14, v33  }
.LBB2_7:
0x19d: {  	v14 =	vld [tilespmem:s29+$0x0]  }
0x19e: {  	v15 =	vld [tilespmem:$0x1FF60]  }
0x19f: {  	v16 =	vld [tilespmem:$0x1FFC0];
	[tilespmem:v61+s19+$0x0] =	vst.idx.msk $0xffff, v13  }
0x1a0: {  	v22 =	vld [tilespmem:$0x1FF90];
	[tilespmem:v0+s19+$0x0] =	vst.idx.msk $0xffff, v63  }
0x1a1: {  	v61 =	vld [tilespmem:s29+$0xFFFFFF00];
	[tilespmem:v59+s19+$0x0] =	vst.idx.msk $0xffff, v5  }
0x1a2: {  	s1 =	smov.u32 s28;
	[tilespmem:v51+s19+$0x0] =	vst.idx.msk $0xffff, v62;
	v51 =	vld [tilespmem:$0x1FEB0]  }
0x1a3: {  	s9 =	sadd.s32 $0x4, s1;
	v59 =	vld [tilespmem:$0x1FF80];
	[tilespmem:v54+s19+$0x0] =	vst.idx.msk $0xffff, v12  }
0x1a4: {  	v12 =	vld [tilespmem:s29+$0xFFFFFF80];
	v18 =	vmov s9;
	[tilespmem:v4+s19+$0x0] =	vst.idx.msk $0xffff, v9  }
0x1a5: {  	v20 =	vld [tilespmem:s24+$0x90];
	[tilespmem:v37+s19+$0x0] =	vst.idx.msk $0xffff, v6;
	v18 =	vshrl.u32 v18, $0x3  }
0x1a6: {  	s10 =	sadd.s32 $0x5, s1;
	s12 =	sadd.s32 $0x6, s1;
	v5 =	vadd.f32 v11, v33;
	v4 =	vadd.f32 v56, v33;
	v6 =	vld [tilespmem:s29+$0xFFFFFF40];
	v11 =	vshll.u32 v18, v1  }
0x1a7: {  	v13 =	vmov s1;
	s31 =	sadd.s32 $0x1, s1;
	s14 =	sadd.s32 $0x2, s1;
	s1 =	sadd.s32 $0x3, s1;
	v56 =	vbroadcast v11, $0x0;
	v11 =	vld [tilespmem:s24+$0xFFFFFF60]  }
0x1a8: {  	v9 =	vshrl.u32 v13, $0x3;
	v23 =	vmov s1;
	v10 =	vadd.f32 v10, v35;
	[tilespmem:v38+s19+$0x0] =	vst.idx.msk $0xffff, v4;
	v4 =	vld [tilespmem:$0x1FF70]  }
0x1a9: {  	v0 =	vadd.f32 v8, v35;
	[tilespmem:v57+s19+$0x0] =	vst.idx.msk $0xffff, v5;
	v5 =	vshll.u32 v9, v1;
	v9 =	vshrl.u32 v23, $0x3;
	v23 =	vld [tilespmem:s24+$0x20]  }
0x1aa: {  	[tilespmem:v3+s19+$0x0] =	vst.idx.msk $0xffff, v10;
	v3 =	vld [tilespmem:$0x1FFD0]  }
0x1ab: {  	v16 =	vadd.s32 v16, v45;
	[tilespmem:v60+s19+$0x0] =	vst.idx.msk $0xffff, v0;
	v60 =	vld [tilespmem:s29+$0xFFFFFFC0]  }
0x1ac: {  	[tilespmem:v40+s19+$0x0] =	vst.idx.msk $0xffff, v2;
	v10 =	vld [tilespmem:s24+$0xFFFFFF20]  }
0x1ad: {  	v8 =	vmov s14;
	v20 =	vadd.f32 v20, v35;
	v21 =	vld [tilespmem:s24+$0xE0]  }
0x1ae: {  	v7 =	vadd.f32 v7, v35;
	v8 =	vshrl.u32 v8, $0x3;
	v62 =	vld [tilespmem:s29+$0xC0]  }
0x1af: {  	v8 =	vshll.u32 v8, v1;
	[tilespmem:v58+s19+$0x0] =	vst.idx.msk $0xffff, v20;
	v58 =	vld [tilespmem:$0x1FE50]  }
0x1b0: {  	v13 =	vmov s31;
	v0 =	vbroadcast v8, $0x0;
	v18 =	vadd.s32 v51, v56;
	[tilespmem:v16+s19+$0x0] =	vst.idx.msk $0xffff, v7;
	v7 =	vld [tilespmem:$0x1FE70]  }
0x1b1: {  	v2 =	vshrl.u32 v13, $0x3;
	v63 =	vld [tilespmem:s29+$0x80]  }
0x1b2: {  	s0 =	sadd.s32 $0x7, s28;
	v37 =	vmovc v39;
	v2 =	vshll.u32 v2, v1;
	v39 =	vadd.s32 v3, v0;
	v3 =	vadd.f32 v14, v36;
	v14 =	vld [tilespmem:s24+$0xFFFFFFE0]  }
0x1b3: {  	v17 =	vmov s0;
	v15 =	vadd.s32 v15, v46;
	v2 =	vbroadcast v2, $0x0;
	v16 =	vld [tilespmem:s29+$0x40]  }
0x1b4: {  	v17 =	vshrl.u32 v17, $0x3;
	v40 =	vmovc v55;
	v13 =	vadd.s32 v32, v0;
	v11 =	vadd.f32 v11, v34;
	v55 =	vld [tilespmem:s24+$0x60]  }
0x1b5: {  	v38 =	vmov v50;
	v50 =	vadd.s32 v59, v2;
	v59 =	vld [tilespmem:$0x1FFB0];
	[tilespmem:v18+s19+$0x0] =	vst.idx.msk $0xffff, v3;
	v3 =	vshll.u32 v17, v1  }
0x1b6: {  	v10 =	vadd.f32 v10, v34;
	v18 =	vbroadcast v3, $0x0;
	v3 =	vadd.f32 v21, v34;
	v21 =	vld [tilespmem:$0x1FF30]  }
0x1b7: {  	[tilespmem:v44+s19+$0x0] =	vst.idx.msk $0xffff, v11;
	v20 =	vld [tilespmem:s29+$0x10]  }
0x1b8: {  	v12 =	vadd.f32 v12, v36;
	[tilespmem:v15+s19+$0x0] =	vst.idx.msk $0xffff, v10;
	v10 =	vld [tilespmem:s24+$0xFFFFFF70]  }
0x1b9: {  	v19 =	vmov s10;
	v54 =	vmov s12;
	v9 =	vshll.u32 v9, v1;
	v15 =	vld [tilespmem:$0x1FE00]  }
0x1ba: {  	v4 =	vadd.s32 v4, v2;
	[tilespmem:v13+s19+$0x0] =	vst.idx.msk $0xffff, v12;
	v51 =	vadd.s32 v58, v46;
	v46 =	vbroadcast v5, $0x0;
	v5 =	vld [tilespmem:$0x1FE20]  }
0x1bb: {  	v8 =	vshrl.u32 v19, $0x3;
	v19 =	vshrl.u32 v54, $0x3;
	v6 =	vadd.f32 v6, v36;
	v13 =	vld [tilespmem:s24+$0xFFFFFFA0]  }
0x1bc: {  	v9 =	vbroadcast v9, $0x0;
	v19 =	vshll.u32 v19, v1;
	v22 =	vadd.s32 v22, v0;
	[tilespmem:v53+s19+$0x0] =	vst.idx.msk $0xffff, v3;
	v3 =	vld [tilespmem:$0x1FFE0]  }
0x1bd: {  	v12 =	vbroadcast v19, $0x0;
	v11 =	vadd.f32 v14, v34;
	v19 =	vadd.s32 v59, v0;
	v0 =	vld [tilespmem:$0x1FE90]  }
0x1be: {  	v14 =	vadd.f32 v23, v34;
	v23 =	vadd.f32 v60, v36;
	v60 =	vld [tilespmem:$0x1FF20]  }
0x1bf: {  	v7 =	vadd.s32 v7, v9;
	[tilespmem:v4+s19+$0x0] =	vst.idx.msk $0xffff, v6;
	v4 =	vld [tilespmem:$0x1FF40]  }
0x1c0: {  	[tilespmem:v52+s19+$0x0] =	vst.idx.msk $0xffff, v14;
	v14 =	vld [tilespmem:s29+$0xFFFFFF90]  }
0x1c1: {  	v52 =	vld [tilespmem:s24+$0xA0]  }
0x1c2: {  	[tilespmem:v48+s19+$0x0] =	vst.idx.msk $0xffff, v11;
	v11 =	vld [tilespmem:s24+$0x30];
	v0 =	vadd.s32 v0, v9  }
0x1c3: {  	v48 =	vmov v0;
	v0 =	vld [tilespmem:$0x1FE80]  }
0x1c4: {  	[tilespmem:v7+s19+$0x0] =	vst.idx.msk $0xffff, v23;
	v23 =	vadd.f32 v55, v34;
	v55 =	vld [tilespmem:s29+$0xFFFFFF50]  }
0x1c5: {  	v6 =	vadd.f32 v13, v34;
	v54 =	vadd.s32 v3, v2;
	v3 =	vadd.f32 v16, v36;
	v16 =	vld [tilespmem:s24+$0xFFFFFF30]  }
0x1c6: {  	v44 =	vmovc v50;
	v5 =	vadd.s32 v5, v47;
	v47 =	vmov v12;
	v50 =	vadd.s32 v60, v12;
	v12 =	vld [tilespmem:$0x1FFA0]  }
0x1c7: {  	[tilespmem:v41+s19+$0x0] =	vst.idx.msk $0xffff, v6;
	v6 =	vld [tilespmem:$0x1FE60]  }
0x1c8: {  	v59 =	vadd.s32 v0, v9;
	v0 =	vld [tilespmem:$0x1FEF0]  }
0x1c9: {  	v17 =	vadd.f32 v62, v36;
	v21 =	vadd.s32 v21, v18;
	v7 =	vadd.f32 v14, v35;
	v14 =	vld [tilespmem:$0x1FEC0]  }
0x1ca: {  	v8 =	vshll.u32 v8, v1;
	v62 =	vadd.f32 v16, v33;
	v16 =	vadd.f32 v61, v36;
	v61 =	vld [tilespmem:$0x1FEE0]  }
0x1cb: {  	v8 =	vbroadcast v8, $0x0;
	v60 =	vadd.s32 v4, v18;
	v4 =	vld [tilespmem:s24+$0xF0]  }
0x1cc: {  	v13 =	vld [tilespmem:s29+$0xFFFFFFD0]  }
0x1cd: {  	v41 =	vmov v22;
	v22 =	vld [tilespmem:$0x1FEA0];
	[tilespmem:v19+s19+$0x0] =	vst.idx.msk $0xffff, v7;
	v53 =	vadd.s32 v12, v46;
	v12 =	vadd.s32 v0, v8  }
0x1ce: {  	[tilespmem:v21+s19+$0x0] =	vst.idx.msk $0xffff, v17;
	v11 =	vadd.f32 v11, v33;
	v7 =	vadd.f32 v52, v34;
	v17 =	vld [tilespmem:s24+$0xFFFFFFB0]  }
0x1cf: {  	v14 =	vadd.s32 v14, v56;
	v58 =	vadd.s32 v61, v56;
	v61 =	vadd.s32 v6, v42;
	v42 =	vmovc v2;
	v2 =	vld [tilespmem:$0x1FE10]  }
0x1d0: {  	v15 =	vadd.s32 v15, v45;
	[tilespmem:v49+s19+$0x0] =	vst.idx.msk $0xffff, v11;
	v6 =	vld [tilespmem:s24+$0xFFFFFFF0]  }
0x1d1: {  	v63 =	vadd.f32 v63, v36;
	v20 =	vadd.f32 v20, v35;
	[tilespmem:v5+s19+$0x0] =	vst.idx.msk $0xffff, v7;
	v0 =	vld [tilespmem:$0x1FF00]  }
0x1d2: {  	p0 =	slt.u32 s28, $0x78;
	v52 =	vadd.s32 v28, v56;
	v5 =	vadd.f32 v13, v35;
	[tilespmem:v12+s19+$0x0] =	vst.idx.msk $0xffff, v3;
	v3 =	vld [tilespmem:$0x1FE30]  }
.Ltmp2:
0x1d3: {  	v13 =	vadd.f32 v10, v33;
	v56 =	vld [tilespmem:s24+$0xB0];
	[tilespmem:v53+s19+$0x0] =	vst.idx.msk $0xffff, v16;
	v53 =	vadd.s32 v30, v18;
	v49 =	vmov v58;
	(pc) =	sbr.rel @p0 .LBB2_7-.Ltmp2, $4  }
0x1d4: {  	v58 =	vadd.s32 v25, v47;
	[tilespmem:v14+s19+$0x0] =	vst.idx.msk $0xffff, v20;
	v57 =	vadd.s32 v2, v45;
	v45 =	vmov v8;
	v8 =	vld [tilespmem:s29+$0xD0]  }
0x1d5: {  	v2 =	vadd.f32 v4, v33;
	v4 =	vadd.s32 v22, v43;
	v7 =	vld [tilespmem:s29+$0x50];
	[tilespmem:v15+s19+$0x0] =	vst.idx.msk $0xffff, v23  }
0x1d6: {  	v43 =	vmovc v9;
	v9 =	vadd.f32 v6, v33;
	v6 =	vadd.f32 v17, v33;
	v0 =	vadd.s32 v0, v47;
	v11 =	vld [tilespmem:s24+$0x70];
	s24 =	smov.u32 s29  }
0x1d7: {  	s28 =	sadd.s32 $0x8, s28;
	v12 =	vadd.f32 v55, v35;
	s29 =	sadd.s32 $0x200, s29;
	v10 =	vld [tilespmem:s24+$0xFFFFFF10];
	v55 =	vadd.s32 v3, v18;
	v3 =	vadd.s32 v29, v46  }
0x1d8: {  	_ =	sdelay $0x1  }
0x1d9: {  	v17 =	vld [tilespmem:$0x1FF80]  }
0x1da: {  	v16 =	vld [tilespmem:$0x1FFE0]  }
0x1db: {  	v30 =	vld [tilespmem:$0x1FF70];
	[tilespmem:v61+s19+$0x0] =	vst.idx.msk $0xffff, v13  }
0x1dc: {  	[tilespmem:v0+s19+$0x0] =	vst.idx.msk $0xffff, v63  }
0x1dd: {  	[tilespmem:v59+s19+$0x0] =	vst.idx.msk $0xffff, v5  }
0x1de: {  	[tilespmem:v4+s19+$0x0] =	vst.idx.msk $0xffff, v9  }
0x1df: {  	[tilespmem:v51+s19+$0x0] =	vst.idx.msk $0xffff, v62;
	v0 =	vadd.f32 v8, v35  }
0x1e0: {  	[tilespmem:v54+s19+$0x0] =	vst.idx.msk $0xffff, v12  }
0x1e1: {  	v62 =	vld [tilespmem:s24+$0xFFFFFF60];
	[tilespmem:v60+s19+$0x0] =	vst.idx.msk $0xffff, v0  }
0x1e2: {  	v18 =	vld [tilespmem:$0x1FFC0]  }
0x1e3: {  	v0 =	vld [tilespmem:s24+$0x90]  }
0x1e4: {  	v63 =	vadd.f32 v56, v33;
	[tilespmem:v40+s19+$0x0] =	vst.idx.msk $0xffff, v2;
	v2 =	vld [tilespmem:s24+$0x20]  }
0x1e5: {  	v61 =	vadd.f32 v11, v33;
	[tilespmem:v37+s19+$0x0] =	vst.idx.msk $0xffff, v6  }
0x1e6: {  	v60 =	vadd.f32 v10, v35;
	[tilespmem:v38+s19+$0x0] =	vst.idx.msk $0xffff, v63  }
0x1e7: {  	[tilespmem:v57+s19+$0x0] =	vst.idx.msk $0xffff, v61;
	v38 =	vadd.f32 v62, v34;
	v59 =	vadd.s32 v18, v45  }
0x1e8: {  	v14 =	vld [tilespmem:s24+$0xE0];
	[tilespmem:v3+s19+$0x0] =	vst.idx.msk $0xffff, v60;
	v0 =	vadd.f32 v0, v35  }
0x1e9: {  	v54 =	vld [tilespmem:$0x1FF60];
	v2 =	vadd.f32 v2, v34;
	[tilespmem:v44+s19+$0x0] =	vst.idx.msk $0xffff, v38  }
0x1ea: {  	v12 =	vadd.f32 v7, v35;
	v3 =	vld [tilespmem:s24+$0xFFFFFFE0];
	[tilespmem:v58+s19+$0x0] =	vst.idx.msk $0xffff, v0  }
0x1eb: {  	v37 =	vld [tilespmem:s24+$0xFFFFFFA0];
	[tilespmem:v52+s19+$0x0] =	vst.idx.msk $0xffff, v2  }
0x1ec: {  	v13 =	vld [tilespmem:s24+$0xFFFFFF20];
	[tilespmem:v59+s19+$0x0] =	vst.idx.msk $0xffff, v12  }
0x1ed: {  	v19 =	vld [tilespmem:$0x1FE00]  }
0x1ee: {  	v36 =	vadd.s32 v54, v46;
	v20 =	vld [tilespmem:$0x1FE20]  }
0x1ef: {  	v0 =	vadd.f32 v3, v34;
	v51 =	vld [tilespmem:s24+$0x30]  }
0x1f0: {  	v8 =	vadd.f32 v14, v34;
	v40 =	vld [tilespmem:s24+$0x60]  }
0x1f1: {  	v2 =	vld [tilespmem:s24+$0xA0];
	v3 =	vadd.f32 v13, v34;
	[tilespmem:v48+s19+$0x0] =	vst.idx.msk $0xffff, v0  }
0x1f2: {  	[tilespmem:v53+s19+$0x0] =	vst.idx.msk $0xffff, v8;
	v44 =	vadd.s32 v19, v45  }
0x1f3: {  	v52 =	vld [tilespmem:s24+$0xFFFFFF70];
	v0 =	vadd.f32 v37, v34;
	[tilespmem:v36+s19+$0x0] =	vst.idx.msk $0xffff, v3;
	v56 =	vadd.s32 v20, v47  }
0x1f4: {  	v7 =	vadd.f32 v51, v33;
	v8 =	vld [tilespmem:$0x1FE60]  }
0x1f5: {  	v3 =	vld [tilespmem:s24+$0xFFFFFFF0];
	[tilespmem:v41+s19+$0x0] =	vst.idx.msk $0xffff, v0;
	v58 =	vadd.f32 v40, v34  }
0x1f6: {  	v0 =	vadd.f32 v2, v34;
	v12 =	vld [tilespmem:$0x1FE50];
	[tilespmem:v49+s19+$0x0] =	vst.idx.msk $0xffff, v7  }
0x1f7: {  	v59 =	vld [tilespmem:s24+$0xF0];
	[tilespmem:v44+s19+$0x0] =	vst.idx.msk $0xffff, v58  }
0x1f8: {  	v2 =	vadd.s32 v22, v43;
	v60 =	vld [tilespmem:s24+$0xFFFFFFB0];
	[tilespmem:v56+s19+$0x0] =	vst.idx.msk $0xffff, v0  }
0x1f9: {  	v8 =	vadd.s32 v8, v42;
	v62 =	vld [tilespmem:$0x1FE10]  }
0x1fa: {  	v57 =	vld [tilespmem:s24+$0xFFFFFF30]  }
0x1fb: {  	v3 =	vadd.f32 v3, v33;
	v61 =	vld [tilespmem:s24+$0xB0]  }
0x1fc: {  	v12 =	vadd.s32 v12, v46;
	v0 =	vadd.f32 v52, v33;
	v5 =	vld [tilespmem:s24+$0x70]  }
0x1fd: {  	[tilespmem:v2+s19+$0x0] =	vst.idx.msk $0xffff, v3;
	v2 =	vadd.f32 v60, v33  }
0x1fe: {  	[tilespmem:v8+s19+$0x0] =	vst.idx.msk $0xffff, v0;
	v0 =	vadd.f32 v59, v33;
	v63 =	vadd.s32 v62, v45  }
0x1ff: {  	v4 =	vadd.f32 v57, v33;
	[tilespmem:v39+s19+$0x0] =	vst.idx.msk $0xffff, v2  }
0x200: {  	s0 =	sand.u32 $0x3, s26;
	[tilespmem:v55+s19+$0x0] =	vst.idx.msk $0xffff, v0;
	v0 =	vadd.f32 v61, v33  }
0x201: {  	s0 =	sor.u32 s7, s0;
	[tilespmem:v12+s19+$0x0] =	vst.idx.msk $0xffff, v4;
	v3 =	vadd.f32 v5, v33  }
0x202: {  	s0 =	sshll.u32 s0, $0x7;
	[tilespmem:v50+s19+$0x0] =	vst.idx.msk $0xffff, v0  }
0x203: {  	s30 =	simm.s32 $0xC600;
	s9 =	sadd.s32 s0, s25;
	[tilespmem:v63+s19+$0x0] =	vst.idx.msk $0xffff, v3  }
0x204: {  	[hbm4b:s9+s3] =	stream.linear.scatter [tilespmem:s30], [sflag:$0x4], $0x80, $0x38;
	[tilespmem:$0xF800] =	vst v63  }
0x205: {  	s31 =	simm.s32 $0xC688;
	s1 =	sadd.s32 $0x10, s9  }
0x206: {  	[hbm4b:s1+s3] =	stream.linear.scatter [tilespmem:s31], [sflag:$0x4], $0x80, $0x38;
	[tilespmem:$0xF800] =	vst v63  }
0x207: {  	s10 =	simm.s32 $0xC710;
	s14 =	simm.s32 $0xC798;
	s12 =	sadd.s32 $0x20, s9  }
0x208: {  	[hbm4b:s12+s3] =	stream.linear.scatter [tilespmem:s10], [sflag:$0x4], $0x80, $0x38;
	[tilespmem:$0xF800] =	vst v63  }
0x209: {  	s28 =	simm.s32 $0xC8A8;
	s25 =	simm.s32 $0xC820;
	s24 =	sadd.s32 $0x30, s9  }
0x20a: {  	[hbm4b:s24+s3] =	stream.linear.scatter [tilespmem:s14], [sflag:$0x4], $0x80, $0x38;
	[tilespmem:$0xF800] =	vst v63  }
0x20b: {  	s26 =	sadd.s32 $0x40, s9;
	s29 =	sadd.s32 $0x50, s9;
	s0 =	sadd.s32 $0x70, s9  }
0x20c: {  	[hbm4b:s26+s3] =	stream.linear.scatter [tilespmem:s25], [sflag:$0x4], $0x80, $0x38;
	[tilespmem:$0xF800] =	vst v63  }
0x20d: {  	s30 =	simm.s32 $0xC930;
	s31 =	sadd.s32 $0x60, s9;
	s1 =	simm.s32 $0xC9B8  }
0x20e: {  	[hbm4b:s29+s3] =	stream.linear.scatter [tilespmem:s28], [sflag:$0x4], $0x80, $0x38;
	[tilespmem:$0xF800] =	vst v63  }
0x20f: {  	s24 =	simm.s32 $0x440;
	s26 =	simm.s32 $0x2200;
	s25 =	sadd.s32 $0x4000, s9  }
0x210: {  	v58 =	vmov v18;
	[hbm4b:s31+s3] =	stream.linear.scatter [tilespmem:s30], [sflag:$0x4], $0x80, $0x38;
	[tilespmem:$0xF800] =	vst v63  }
.LBB2_9:
0x211: {  	[hbm4b:s0+s3] =	stream.linear.scatter [tilespmem:s1], [sflag:$0x4], $0x80, $0x38;
	[tilespmem:$0xF800] =	vst v63  }
0x212: {  	s0 =	smov.u32 s24;
	s1 =	smov.u32 s26  }
0x213: {  	s9 =	sadd.s32 $0x1100, s26;
	s24 =	sshra.s32 s1, $0x2;
	s1 =	sadd.s32 $0xC600, s0  }
0x214: {  	[hbm4b:s25+s3] =	stream.linear.scatter [tilespmem:s1], [sflag:$0x4], $0x80, $0x38;
	[tilespmem:$0xF800] =	vst v63  }
0x215: {  	p0 =	sne.s32 s26, $0x7700;
	s10 =	sadd.s32 $0x10, s25;
	s1 =	sadd.s32 $0xC688, s0  }
0x216: {  	[hbm4b:s10+s3] =	stream.linear.scatter [tilespmem:s1], [sflag:$0x4], $0x80, $0x38;
	[tilespmem:$0xF800] =	vst v63  }
0x217: {  	s1 =	sadd.s32 $0xC710, s0;
	s10 =	sadd.s32 $0x20, s25  }
0x218: {  	[hbm4b:s10+s3] =	stream.linear.scatter [tilespmem:s1], [sflag:$0x4], $0x80, $0x38;
	[tilespmem:$0xF800] =	vst v63  }
0x219: {  	s1 =	sadd.s32 $0xC798, s0;
	s10 =	sadd.s32 $0x30, s25  }
0x21a: {  	[hbm4b:s10+s3] =	stream.linear.scatter [tilespmem:s1], [sflag:$0x4], $0x80, $0x38;
	[tilespmem:$0xF800] =	vst v63  }
0x21b: {  	s1 =	sadd.s32 $0xC820, s0;
	s10 =	sadd.s32 $0x40, s25  }
0x21c: {  	[hbm4b:s10+s3] =	stream.linear.scatter [tilespmem:s1], [sflag:$0x4], $0x80, $0x38;
	[tilespmem:$0xF800] =	vst v63  }
.Ltmp3:
0x21d: {  	s1 =	sadd.s32 $0xC8A8, s0;
	s10 =	sadd.s32 $0x50, s25;
	(pc) =	sbr.rel @p0 .LBB2_9-.Ltmp3, $4  }
0x21e: {  	[hbm4b:s10+s3] =	stream.linear.scatter [tilespmem:s1], [sflag:$0x4], $0x80, $0x38;
	[tilespmem:$0xF800] =	vst v63  }
0x21f: {  	s26 =	smov.u32 s9;
	s1 =	sadd.s32 $0xC930, s0;
	s10 =	sadd.s32 $0x60, s25  }
0x220: {  	[hbm4b:s10+s3] =	stream.linear.scatter [tilespmem:s1], [sflag:$0x4], $0x80, $0x38;
	[tilespmem:$0xF800] =	vst v63  }
0x221: {  	s1 =	sadd.s32 $0xC9B8, s0;
	s0 =	sadd.s32 $0x70, s25;
	s25 =	sadd.s32 $0x4000, s25  }
0x222: {  	[hbm4b:s0+s3] =	stream.linear.scatter [tilespmem:s1], [sflag:$0x4], $0x80, $0x38;
	[tilespmem:$0xF800] =	vst v63  }
0x223: {  	s26 =	sadd.s32 $0xC600, s24  }
0x224: {  	[hbm4b:s25+s3] =	stream.linear.scatter [tilespmem:s26], [sflag:$0x4], $0x80, $0x38;
	[tilespmem:$0xF800] =	vst v63  }
0x225: {  	s28 =	sadd.s32 $0xC688, s24;
	s29 =	sadd.s32 $0x10, s25;
	v57 =	vld [tilespmem:$0x1FE40]  }
0x226: {  	v14 =	vld [tilespmem:$0x1FE70];
	[hbm4b:s29+s3] =	stream.linear.scatter [tilespmem:s28], [sflag:$0x4], $0x80, $0x38  }
0x227: {  	s30 =	sadd.s32 $0xC710, s24;
	s31 =	sadd.s32 $0x20, s25;
	v15 =	vld [tilespmem:$0x1FE80]  }
0x228: {  	v59 =	vmov v16;
	v16 =	vld [tilespmem:$0x1FE90];
	[hbm4b:s31+s3] =	stream.linear.scatter [tilespmem:s30], [sflag:$0x4], $0x80, $0x38  }
0x229: {  	s1 =	sadd.s32 $0xC798, s24;
	s9 =	sadd.s32 $0x30, s25;
	v8 =	vld [tilespmem:$0x1FEB0]  }
0x22a: {  	v29 =	vld [tilespmem:$0x1FEC0];
	[hbm4b:s9+s3] =	stream.linear.scatter [tilespmem:s1], [sflag:$0x4], $0x80, $0x38  }
0x22b: {  	s10 =	sadd.s32 $0xC820, s24;
	s12 =	sadd.s32 $0x40, s25;
	s23 =	sadd.s32 $0x1, s23;
	v20 =	vmov v24;
	v24 =	vld [tilespmem:$0x1FED0]  }
0x22c: {  	v25 =	vld [tilespmem:$0x1FEE0];
	[hbm4b:s12+s3] =	stream.linear.scatter [tilespmem:s10], [sflag:$0x4], $0x80, $0x38  }
0x22d: {  	s14 =	sadd.s32 $0xC8A8, s24;
	v19 =	vmov v26;
	v26 =	vld [tilespmem:$0x1FEF0];
	p0 =	sne.s32 s23, $0x64;
	s26 =	sadd.s32 $0x50, s25  }
0x22e: {  	v21 =	vmov v27;
	v27 =	vld [tilespmem:$0x1FF00];
	[hbm4b:s26+s3] =	stream.linear.scatter [tilespmem:s14], [sflag:$0x4], $0x80, $0x38  }
.Ltmp4:
0x22f: {  	v23 =	vmov v31;
	v31 =	vld [tilespmem:$0x1FF10];
	(pc) =	sbr.rel @p0 .LBB2_2-.Ltmp4, $4  }
0x230: {  	v52 =	vld [tilespmem:$0x1FF20];
	s28 =	sadd.s32 $0xC930, s24;
	s29 =	sadd.s32 $0x60, s25  }
0x231: {  	v51 =	vld [tilespmem:$0x1FF30];
	[hbm4b:s29+s3] =	stream.linear.scatter [tilespmem:s28], [sflag:$0x4], $0x80, $0x38  }
0x232: {  	v53 =	vld [tilespmem:$0x1FF40];
	s30 =	sadd.s32 $0xC9B8, s24;
	s31 =	sadd.s32 $0x70, s25  }
0x233: {  	v41 =	vmov v17;
	v61 =	vmov v32;
	v55 =	vld [tilespmem:$0x1FF50];
	[hbm4b:s31+s3] =	stream.linear.scatter [tilespmem:s30], [sflag:$0x4], $0x80, $0x38  }
0x234: {  	s22 =	sadd.s32 $0x1, s22  }
0x235: {  	_ =	swait.ge [sflag:s20], $0x2000;
	p0 =	sne.s32 s22, s8  }
.Ltmp5:
0x236: {  	[sflag:s20] =	ssyncset.done $0x0;
	(pc) =	sbr.rel @p0 .LBB2_1-.Ltmp5, $4  }
0x237: {  	[sflag:s20] =	ssyncadd.s32 $0xFFFFE000  }
0x238: {  	_ =	swait.ge [sflag:s21], $0x2000  }
0x239: {  	[sflag:s21] =	ssyncset.done $0x0  }
0x23a: {  	[sflag:s21] =	ssyncadd.s32 $0xFFFFE000  }
0x23b: {  	_ =	sfence.sel $0x180000  }
0x23c: {  	[bflag:$0x0] =	sbarrier.arrive $0xFFFF  }
0x23d: {  	_ =	strace $0x90000047  }
0x23e: {  	s0 =	stileid.u32;
	[bflag:$0x2] =	sbarrier.arrive $0xFFFF  }
0x23f: {  	p0 =	sne.s32 s0, $0x0;
	s0 =	rddreg [dreg:$0x2]  }
0x240: {  	s0 =	sadd.s32 @!p0 $0x100000, s0  }
0x241: {  	[sflag:s0] =	ssyncadd.tile.s32 @!p0 $0x1;
	_ =	shalt  }
.Lfunc_end2:
_tile_overlayer_lowered:
.L_overlay_start_2:
0x242: {  	(tag) =	ssettag $0x2  }
0x243: {  	s0 =	rddreg [dreg:$0x0];
	s2 =	stileid.u32  }
0x244: {  	s1 =	rddreg [dreg:$0x1];
	p0 =	sne.s32 s2, $0x0  }
0x245: {  	s3 =	rddreg [dreg:$0x2];
	[bflag:$0x3] =	sbarrier.arrive $0xFFFF;
	s2 =	simm.s32 @!p0 $0x1C05  }
0x246: {  	[timem:s3], [sflag:s2] =	dma.local @!p0 [hbm:s0], s1  }
0x247: {  	s0 =	simm.s32 @!p0 $0x5  }
0x248: {  	_ =	swait.ge @!p0 [sflag:s0], s1  }
0x249: {  	s1 =	ssub.s32 @!p0 $0x0, s1;
	[sflag:s0] =	ssyncset.done @!p0 $0x0  }
0x24a: {  	[sflag:s0] =	ssyncadd.s32 @!p0 s1  }
0x24b: {  	[bflag:$0x3] =	sbarrier.arrive $0xFFFF  }
0x24c: {  	_ =	shalt  }

</sc_bundles>
